<compile_context>
chip_gen: v7x
topology: tpu7x:2x2x1
jax: 0.10.2.dev20260603
libtpu: 0.0.44.dev20260713+nightly
codegen_flags: <defaults>
</compile_context>

<pallas_src>
import jax
import jax.numpy as jnp
from jax import lax
from jax.experimental import pallas as pl
from jax.experimental.pallas import tpu as pltpu
from jax.experimental.pallas import tpu_sc as plsc

M, D_OUT, D_MODEL, N, B = 131072, 64, 1024, 32768, 1024
M_BLK = 4096
N_BLKS = M // M_BLK
M_PAD = M + M_BLK

NC, NS, L = 2, 16, 16
W = NC * NS
RPW = M // W
NV = N // L
PCH = 128
D_PAD = 128



def _copy_body(src_ref, dst_ref):
    dst_ref[...] = jnp.concatenate(
        [src_ref[...], jnp.ones((M_BLK, 1), jnp.float32),
         jnp.zeros((M_BLK, 63), jnp.float32)], axis=1)


def _copy(mem):
    return pl.pallas_call(
        _copy_body,
        grid=(N_BLKS,),
        in_specs=[pl.BlockSpec((M_BLK, D_OUT), lambda j: (j, 0))],
        out_specs=pl.BlockSpec((M_BLK, D_PAD), lambda j: (j, 0)),
        out_shape=jax.ShapeDtypeStruct((M_PAD, D_PAD), jnp.float32),
    )(mem)



CPW = N // W // PCH


def _patch_body(mem2_ref, enc_hbm, dst2_hbm,
                dst_l, rows0, rows1, sem_l, sem_g, sem_s):
    c = lax.axis_index("c")
    s = lax.axis_index("s")
    wid = s * NC + c

    pltpu.sync_copy(dst2_hbm.at[pl.ds(wid * CPW, CPW)], dst_l)

    def _round(t, _):
        j0 = 2 * t
        j1 = 2 * t + 1
        base = (wid * CPW + j0) * PCH
        g0 = pltpu.async_copy(enc_hbm.at[pl.ds(base, PCH)], rows0, sem_g)
        g1 = pltpu.async_copy(enc_hbm.at[pl.ds(base + PCH, PCH)], rows1,
                              sem_l)
        g0.wait()
        s0 = pltpu.async_copy(rows0, mem2_ref.at[dst_l.at[j0]], sem_s)
        g1.wait()
        s1 = pltpu.async_copy(rows1, mem2_ref.at[dst_l.at[j1]], sem_s)
        s0.wait()
        s1.wait()
        return 0
    lax.fori_loop(0, CPW // 2, _round, 0)


def _patch(mem2_ref, enc, dst2):
    mesh = plsc.VectorSubcoreMesh(core_axis_name="c", subcore_axis_name="s")
    run = pl.kernel(
        _patch_body,
        out_type=(),
        mesh=mesh,
        scratch_types=[
            pltpu.VMEM((CPW, PCH), jnp.int32),
            pltpu.VMEM((PCH, D_PAD), jnp.float32),
            pltpu.VMEM((PCH, D_PAD), jnp.float32),
            pltpu.SemaphoreType.DMA,
            pltpu.SemaphoreType.DMA,
            pltpu.SemaphoreType.DMA,
        ],
    )
    run(mem2_ref, enc, dst2)



H_BLK = M_BLK // 2


def _flash_body(cue_ref, proj_ref, mem_ref, dec_ref, out_ref,
                q_ref, acc_ref):
    j = pl.program_id(0)
    dflt = jax.lax.Precision.DEFAULT

    @pl.when(j == 0)
    def _init():
        q_ref[...] = jax.lax.dot_general(
            cue_ref[...], proj_ref[...], (((1,), (1,)), ((), ())),
            preferred_element_type=jnp.float32, precision=dflt)
        acc_ref[...] = jnp.zeros_like(acc_ref)

    for h in range(2):
        s = jax.lax.dot_general(
            q_ref[...], mem_ref[pl.ds(h * H_BLK, H_BLK), :D_OUT],
            (((1,), (1,)), ((), ())),
            preferred_element_type=jnp.float32, precision=dflt)
        p = jnp.exp(s)
        acc_ref[...] += jax.lax.dot_general(
            p, mem_ref[pl.ds(h * H_BLK, H_BLK), :], (((1,), (0,)), ((), ())),
            preferred_element_type=jnp.float32, precision=dflt)

    @pl.when(j == N_BLKS - 1)
    def _fin():
        read_latent = acc_ref[:, :D_OUT] / acc_ref[:, D_OUT:D_OUT + 1]
        out_ref[...] = jax.lax.dot_general(
            read_latent, dec_ref[...], (((1,), (1,)), ((), ())),
            preferred_element_type=jnp.float32, precision=dflt)


def _flash(cue, cue_proj_w, mem_updated, decoder_w):
    return pl.pallas_call(
        _flash_body,
        grid=(N_BLKS,),
        in_specs=[
            pl.BlockSpec((B, D_MODEL), lambda j: (0, 0)),
            pl.BlockSpec((D_OUT, D_MODEL), lambda j: (0, 0)),
            pl.BlockSpec((M_BLK, D_PAD), lambda j: (j, 0)),
            pl.BlockSpec((D_MODEL, D_OUT), lambda j: (0, 0)),
        ],
        out_specs=pl.BlockSpec((B, D_MODEL), lambda j: (0, 0)),
        out_shape=jax.ShapeDtypeStruct((B, D_MODEL), jnp.float32),
        scratch_shapes=[
            pltpu.VMEM((B, D_OUT), jnp.float32),
            pltpu.VMEM((B, D_OUT + 64), jnp.float32),
        ],
    )(cue, cue_proj_w, mem_updated, decoder_w)


def kernel(mem, encoded_batch, idx, cue, cue_proj_w, decoder_w):
    ar = jnp.arange(N, dtype=jnp.int32)
    last = jnp.full((M,), -1, jnp.int32).at[idx].max(ar)
    keep = last[idx] == ar
    dst2 = jnp.where(keep, idx, M + (ar % M_BLK)).reshape(N // PCH, PCH)

    enc_pad = jnp.concatenate(
        [encoded_batch, jnp.ones((N, 1), jnp.float32),
         jnp.zeros((N, D_PAD - D_OUT - 1), jnp.float32)], axis=1)
    mem2 = _copy(mem)
    mem2_ref = jax.new_ref(mem2)
    _patch(mem2_ref, enc_pad, dst2)
    mem_updated = jax.freeze(mem2_ref)
    return _flash(cue, cue_proj_w, mem_updated, decoder_w)

# --- scband reference (transcript-rebuilt; emitter-appended) ---
"""Pipeline reference for scband-multi-slot-outer-model-89043261981281 (READ-ONLY COPY).

The authoritative reference and input builder live on the scoring server;
editing this copy changes nothing except your own understanding.
"""

import jax, jax.numpy as jnp
import numpy as np

M, D_OUT, D_MODEL, N, B = 131072, 64, 1024, 32768, 1024

def setup_inputs(seed: int = 0) -> dict:
    key = jax.random.key(seed)
    ks = jax.random.split(key, 6)
    mem = jax.random.normal(ks[0], (M, D_OUT), dtype=jnp.float32)
    encoded_batch = jax.random.normal(ks[1], (N, D_OUT), dtype=jnp.float32)
    idx = jax.random.randint(ks[2], (N,), 0, M, dtype=jnp.int64) if jax.config.jax_enable_x64 else jax.random.randint(ks[2], (N,), 0, M, dtype=jnp.int32)
    cue = jax.random.normal(ks[3], (B, D_MODEL), dtype=jnp.float32)
    cue_proj_w = jax.random.normal(ks[4], (D_OUT, D_MODEL), dtype=jnp.float32) / np.sqrt(D_MODEL)
    decoder_w = jax.random.normal(ks[5], (D_MODEL, D_OUT), dtype=jnp.float32) / np.sqrt(D_OUT)
    return {"mem": mem, "encoded_batch": encoded_batch, "idx": idx, "cue": cue,
            "cue_proj_w": cue_proj_w, "decoder_w": decoder_w}

def reference(mem, encoded_batch, idx, cue, cue_proj_w, decoder_w):
    # append_kv_batch: scatter pre-encoded KV pairs (outer_dim latents) into the slot table.
    # Torch version appends per-slot tensors; at max_slots capacity this is equivalent to
    # overwriting physical slot positions selected by the table (scatter-overwrite).
    mem_updated = mem.at[idx].set(encoded_batch)
    # read(): cue-dependent retrieval. Project cue into outer space, dot-product
    # similarity against every slot, softmax retrieval weights, weighted readout,
    # decode back to model_dim.
    q = cue @ cue_proj_w.T                      # (B, D_OUT)
    scores = q @ mem_updated.T                  # (B, M) similarity vs each slot
    w = jax.nn.softmax(scores, axis=-1)         # retrieval weights
    read_latent = w @ mem_updated               # (B, D_OUT)
    out = read_latent @ decoder_w.T             # (B, D_MODEL)
    return out

if __name__ == "__main__":
    import jax
    _d = setup_inputs()
    print(jax.jit(kernel)(*tuple(_d.values())))

</pallas_src>

<mosaic_0001>
#map = affine_map<(d0, d1) -> (0, 0)>
module attributes {stable_mosaic.version = 14 : i64} {
  func.func @new_body(%arg0: i32, %arg1: i32, %arg2: memref<135168x128xf32, #tpu.memory_space<hbm>>, %arg3: memref<32768x128xf32, #tpu.memory_space<hbm>>, %arg4: memref<256x128xi32, #tpu.memory_space<hbm>>, %arg5: memref<135168x128xf32, #tpu.memory_space<hbm>>, %arg6: memref<8x128xi32, #tpu.memory_space<vmem>>, %arg7: memref<128x128xf32, #tpu.memory_space<vmem>>, %arg8: memref<128x128xf32, #tpu.memory_space<vmem>>, %arg9: memref<!tpu.dma_semaphore, #tpu.memory_space<semaphore_mem>>, %arg10: memref<!tpu.dma_semaphore, #tpu.memory_space<semaphore_mem>>, %arg11: memref<!tpu.dma_semaphore, #tpu.memory_space<semaphore_mem>>) attributes {dimension_semantics = [#tpu.dimension_semantics<core_parallel>, #tpu.dimension_semantics<subcore_parallel>], iteration_bounds = array<i64: 2, 16>, scalar_prefetch = 0 : i64, scratch_operands = 6 : i64, tpu.core_type = #tpu.core_type<sc_vector_subcore>, window_params = [{transform_indices = #map}, {transform_indices = #map}, {transform_indices = #map}, {transform_indices = #map}]} {
    %mul3A = arith.constant 2 : i32
    %mul3A_0 = arith.muli %arg1, %mul3A : i32
    %add3A = arith.addi %mul3A_0, %arg0 : i32
    %mul3A_1 = arith.constant 8 : i32
    %mul3A_2 = arith.muli %add3A, %mul3A_1 : i32
    "tpu.region"() ({
      %run_scoped3A = tpu.sem_alloc : memref<!tpu.dma_semaphore, #tpu.memory_space<semaphore_mem>>
      %dma_start3A = arith.constant 0 : i32
      %dma_start3A_9 = tpu.memref_slice %arg4[%mul3A_2, %dma_start3A] : memref<256x128xi32, #tpu.memory_space<hbm>> -> memref<8x128xi32, #tpu.memory_space<hbm>>
      %dma_start3A_10 = arith.constant 0 : i32
      %dma_start3A_11 = tpu.memref_slice %arg4[%mul3A_2, %dma_start3A_10] : memref<256x128xi32, #tpu.memory_space<hbm>> -> memref<8x128xi32, #tpu.memory_space<hbm>>
      tpu.enqueue_dma source(%dma_start3A_11 : memref<8x128xi32, #tpu.memory_space<hbm>>) target(%arg6 : memref<8x128xi32, #tpu.memory_space<vmem>>) target_semaphore(%run_scoped3A : memref<!tpu.dma_semaphore, #tpu.memory_space<semaphore_mem>>)
      %dma_wait3A = arith.constant 0 : i32
      %dma_wait3A_12 = tpu.memref_slice %arg4[%mul3A_2, %dma_wait3A] : memref<256x128xi32, #tpu.memory_space<hbm>> -> memref<8x128xi32, #tpu.memory_space<hbm>>
      %dma_wait3A_13 = arith.constant 0 : i32
      %dma_wait3A_14 = tpu.memref_slice %arg4[%mul3A_2, %dma_wait3A_13] : memref<256x128xi32, #tpu.memory_space<hbm>> -> memref<8x128xi32, #tpu.memory_space<hbm>>
      tpu.wait_dma2 semaphore(%run_scoped3A : memref<!tpu.dma_semaphore, #tpu.memory_space<semaphore_mem>>) src(%dma_wait3A_14 : memref<8x128xi32, #tpu.memory_space<hbm>>) dst(%arg6 : memref<8x128xi32, #tpu.memory_space<vmem>>)
      tpu.yield
    }) : () -> ()
    %scan3A = arith.constant 0 : i32
    %scan3A_3 = arith.constant 0 : i32
    %scan3A_4 = arith.constant 4 : i32
    %scan3A_5 = arith.addi %scan3A_3, %scan3A_4 : i32
    %scan3A_6 = arith.constant 1 : i32
    %scan3A_7 = scf.for %scan3A_9 = %scan3A_3 to %scan3A_5 step %scan3A_6 iter_args(%scan3A_10 = %scan3A) -> (i32)  : i32 {
      %mul3A_11 = arith.constant 2 : i32
      %mul3A_12 = arith.muli %mul3A_11, %scan3A_9 : i32
      %mul3A_13 = arith.constant 2 : i32
      %mul3A_14 = arith.muli %mul3A_13, %scan3A_9 : i32
      %add3A_15 = arith.constant 1 : i32
      %add3A_16 = arith.addi %mul3A_14, %add3A_15 : i32
      %mul3A_17 = arith.constant 8 : i32
      %mul3A_18 = arith.muli %add3A, %mul3A_17 : i32
      %add3A_19 = arith.addi %mul3A_18, %mul3A_12 : i32
      %mul3A_20 = arith.constant 128 : i32
      %mul3A_21 = arith.muli %add3A_19, %mul3A_20 : i32
      %dma_start3A = arith.constant 0 : i32
      %dma_start3A_22 = tpu.memref_slice %arg3[%mul3A_21, %dma_start3A] : memref<32768x128xf32, #tpu.memory_space<hbm>> -> memref<128x128xf32, #tpu.memory_space<hbm>>
      %dma_start3A_23 = arith.constant 0 : i32
      %dma_start3A_24 = tpu.memref_slice %arg3[%mul3A_21, %dma_start3A_23] : memref<32768x128xf32, #tpu.memory_space<hbm>> -> memref<128x128xf32, #tpu.memory_space<hbm>>
      tpu.enqueue_dma source(%dma_start3A_24 : memref<128x128xf32, #tpu.memory_space<hbm>>) target(%arg7 : memref<128x128xf32, #tpu.memory_space<vmem>>) target_semaphore(%arg10 : memref<!tpu.dma_semaphore, #tpu.memory_space<semaphore_mem>>)
      %add3A_25 = arith.constant 128 : i32
      %add3A_26 = arith.addi %mul3A_21, %add3A_25 : i32
      %dma_start3A_27 = arith.constant 0 : i32
      %dma_start3A_28 = tpu.memref_slice %arg3[%add3A_26, %dma_start3A_27] : memref<32768x128xf32, #tpu.memory_space<hbm>> -> memref<128x128xf32, #tpu.memory_space<hbm>>
      %dma_start3A_29 = arith.constant 0 : i32
      %dma_start3A_30 = tpu.memref_slice %arg3[%add3A_26, %dma_start3A_29] : memref<32768x128xf32, #tpu.memory_space<hbm>> -> memref<128x128xf32, #tpu.memory_space<hbm>>
      tpu.enqueue_dma source(%dma_start3A_30 : memref<128x128xf32, #tpu.memory_space<hbm>>) target(%arg8 : memref<128x128xf32, #tpu.memory_space<vmem>>) target_semaphore(%arg9 : memref<!tpu.dma_semaphore, #tpu.memory_space<semaphore_mem>>)
      %dma_wait3A = arith.constant 0 : i32
      %dma_wait3A_31 = tpu.memref_slice %arg3[%mul3A_21, %dma_wait3A] : memref<32768x128xf32, #tpu.memory_space<hbm>> -> memref<128x128xf32, #tpu.memory_space<hbm>>
      %dma_wait3A_32 = arith.constant 0 : i32
      %dma_wait3A_33 = tpu.memref_slice %arg3[%mul3A_21, %dma_wait3A_32] : memref<32768x128xf32, #tpu.memory_space<hbm>> -> memref<128x128xf32, #tpu.memory_space<hbm>>
      tpu.wait_dma2 semaphore(%arg10 : memref<!tpu.dma_semaphore, #tpu.memory_space<semaphore_mem>>) src(%dma_wait3A_33 : memref<128x128xf32, #tpu.memory_space<hbm>>) dst(%arg7 : memref<128x128xf32, #tpu.memory_space<vmem>>)
      %dma_start3A_34 = arith.constant 0 : i32
      %dma_start3A_35 = tpu.memref_slice %arg6[%mul3A_12, %dma_start3A_34] : memref<8x128xi32, #tpu.memory_space<vmem>> -> memref<1x128xi32, #tpu.memory_space<vmem>>
      %dma_start3A_36 = tpu.memref_squeeze %dma_start3A_35 : memref<1x128xi32, #tpu.memory_space<vmem>> -> memref<128xi32, #tpu.memory_space<vmem>>
      %dma_start3A_37 = arith.constant 0 : i32
      %dma_start3A_38 = arith.constant 0 : i32
      %dma_start3A_39 = tpu.memref_slice %arg2[%dma_start3A_37, %dma_start3A_38] : memref<135168x128xf32, #tpu.memory_space<hbm>> -> memref<135168x128xf32, #tpu.memory_space<hbm>>
      tpu.enqueue_indirect_dma source(%arg7 : memref<128x128xf32, #tpu.memory_space<vmem>>) target(%dma_start3A_39 : memref<135168x128xf32, #tpu.memory_space<hbm>>) offsets(%dma_start3A_36 : memref<128xi32, #tpu.memory_space<vmem>>) semaphore(%arg11 : memref<!tpu.dma_semaphore, #tpu.memory_space<semaphore_mem>>)
      %dma_wait3A_40 = arith.constant 0 : i32
      %dma_wait3A_41 = tpu.memref_slice %arg3[%add3A_26, %dma_wait3A_40] : memref<32768x128xf32, #tpu.memory_space<hbm>> -> memref<128x128xf32, #tpu.memory_space<hbm>>
      %dma_wait3A_42 = arith.constant 0 : i32
      %dma_wait3A_43 = tpu.memref_slice %arg3[%add3A_26, %dma_wait3A_42] : memref<32768x128xf32, #tpu.memory_space<hbm>> -> memref<128x128xf32, #tpu.memory_space<hbm>>
      tpu.wait_dma2 semaphore(%arg9 : memref<!tpu.dma_semaphore, #tpu.memory_space<semaphore_mem>>) src(%dma_wait3A_43 : memref<128x128xf32, #tpu.memory_space<hbm>>) dst(%arg8 : memref<128x128xf32, #tpu.memory_space<vmem>>)
      %dma_start3A_44 = arith.constant 0 : i32
      %dma_start3A_45 = tpu.memref_slice %arg6[%add3A_16, %dma_start3A_44] : memref<8x128xi32, #tpu.memory_space<vmem>> -> memref<1x128xi32, #tpu.memory_space<vmem>>
      %dma_start3A_46 = tpu.memref_squeeze %dma_start3A_45 : memref<1x128xi32, #tpu.memory_space<vmem>> -> memref<128xi32, #tpu.memory_space<vmem>>
      %dma_start3A_47 = arith.constant 0 : i32
      %dma_start3A_48 = arith.constant 0 : i32
      %dma_start3A_49 = tpu.memref_slice %arg2[%dma_start3A_47, %dma_start3A_48] : memref<135168x128xf32, #tpu.memory_space<hbm>> -> memref<135168x128xf32, #tpu.memory_space<hbm>>
      tpu.enqueue_indirect_dma source(%arg8 : memref<128x128xf32, #tpu.memory_space<vmem>>) target(%dma_start3A_49 : memref<135168x128xf32, #tpu.memory_space<hbm>>) offsets(%dma_start3A_46 : memref<128xi32, #tpu.memory_space<vmem>>) semaphore(%arg11 : memref<!tpu.dma_semaphore, #tpu.memory_space<semaphore_mem>>)
      %dma_wait3A_50 = arith.constant 0 : i32
      %dma_wait3A_51 = tpu.memref_slice %arg6[%mul3A_12, %dma_wait3A_50] : memref<8x128xi32, #tpu.memory_space<vmem>> -> memref<1x128xi32, #tpu.memory_space<vmem>>
      %dma_wait3A_52 = tpu.memref_squeeze %dma_wait3A_51 : memref<1x128xi32, #tpu.memory_space<vmem>> -> memref<128xi32, #tpu.memory_space<vmem>>
      %dma_wait3A_53 = arith.constant 0 : i32
      %dma_wait3A_54 = arith.constant 0 : i32
      %dma_wait3A_55 = tpu.memref_slice %arg2[%dma_wait3A_53, %dma_wait3A_54] : memref<135168x128xf32, #tpu.memory_space<hbm>> -> memref<135168x128xf32, #tpu.memory_space<hbm>>
      tpu.wait_indirect_dma semaphore(%arg11 : memref<!tpu.dma_semaphore, #tpu.memory_space<semaphore_mem>>) src(%arg7 : memref<128x128xf32, #tpu.memory_space<vmem>>) dst(%dma_wait3A_55 : memref<135168x128xf32, #tpu.memory_space<hbm>>)
      %dma_wait3A_56 = arith.constant 0 : i32
      %dma_wait3A_57 = tpu.memref_slice %arg6[%add3A_16, %dma_wait3A_56] : memref<8x128xi32, #tpu.memory_space<vmem>> -> memref<1x128xi32, #tpu.memory_space<vmem>>
      %dma_wait3A_58 = tpu.memref_squeeze %dma_wait3A_57 : memref<1x128xi32, #tpu.memory_space<vmem>> -> memref<128xi32, #tpu.memory_space<vmem>>
      %dma_wait3A_59 = arith.constant 0 : i32
      %dma_wait3A_60 = arith.constant 0 : i32
      %dma_wait3A_61 = tpu.memref_slice %arg2[%dma_wait3A_59, %dma_wait3A_60] : memref<135168x128xf32, #tpu.memory_space<hbm>> -> memref<135168x128xf32, #tpu.memory_space<hbm>>
      tpu.wait_indirect_dma semaphore(%arg11 : memref<!tpu.dma_semaphore, #tpu.memory_space<semaphore_mem>>) src(%arg8 : memref<128x128xf32, #tpu.memory_space<vmem>>) dst(%dma_wait3A_61 : memref<135168x128xf32, #tpu.memory_space<hbm>>)
      %scan3A_62 = arith.constant 0 : i32
      scf.yield %scan3A_62 : i32
    }
    %scan3A_8 = arith.constant 4 : i32
    return
  }
}

module attributes {stable_mosaic.version = 14 : i64} {
  func.func @_copy_body(%arg0: i32, %arg1: memref<4096x64xf32, #tpu.memory_space<vmem>>, %arg2: memref<4096x128xf32, #tpu.memory_space<vmem>>) attributes {dimension_semantics = [#tpu.dimension_semantics<arbitrary>], iteration_bounds = array<i64: 32>, scalar_prefetch = 0 : i64, scratch_operands = 0 : i64, tpu.core_type = #tpu.core_type<tc>, window_params = [{transform_indices = @transform_0, window_bounds = array<i64: 4096, 64>}, {transform_indices = @transform_1, window_bounds = array<i64: 4096, 128>}]} {
    %get3A = arith.constant 0 : index
    %get3A_0 = arith.constant 0 : index
    %get3A_1 = vector.load %arg1[%get3A, %get3A_0] : memref<4096x64xf32, #tpu.memory_space<vmem>>, vector<4096x64xf32>
    %broadcast_in_dim3A = arith.constant 1.000000e+00 : f32
    %broadcast_in_dim3A_2 = vector.broadcast %broadcast_in_dim3A : f32 to vector<4096x1xf32>
    %broadcast_in_dim3A_3 = arith.constant 0.000000e+00 : f32
    %broadcast_in_dim3A_4 = vector.broadcast %broadcast_in_dim3A_3 : f32 to vector<4096x63xf32>
    %concatenate3A = tpu.concatenate %get3A_1, %broadcast_in_dim3A_2, %broadcast_in_dim3A_4 in 1 : vector<4096x64xf32>, vector<4096x1xf32>, vector<4096x63xf32> -> vector<4096x128xf32>
    %swap3A = arith.constant 0 : index
    %swap3A_5 = arith.constant 0 : index
    %swap3A_6 = vector.load %arg2[%swap3A, %swap3A_5] : memref<4096x128xf32, #tpu.memory_space<vmem>>, vector<4096x128xf32>
    tpu.vector_store %arg2[%swap3A, %swap3A_5], %concatenate3A {strides = array<i32>} : memref<4096x128xf32, #tpu.memory_space<vmem>>, vector<4096x128xf32>,
    return
  }
  func.func @transform_0(%arg0: i32) -> (i32, i32) {
    %c0_i32 = arith.constant 0 : i32
    %c0_i32_0 = arith.constant 0 : i32
    return %arg0, %c0_i32 : i32, i32
  }
  func.func @transform_1(%arg0: i32) -> (i32, i32) {
    %c0_i32 = arith.constant 0 : i32
    %c0_i32_0 = arith.constant 0 : i32
    return %arg0, %c0_i32 : i32, i32
  }
}

module attributes {stable_mosaic.version = 14 : i64} {
  func.func @_flash_body(%arg0: i32, %arg1: memref<1024x1024xf32, #tpu.memory_space<vmem>>, %arg2: memref<64x1024xf32, #tpu.memory_space<vmem>>, %arg3: memref<4096x128xf32, #tpu.memory_space<vmem>>, %arg4: memref<1024x64xf32, #tpu.memory_space<vmem>>, %arg5: memref<1024x1024xf32, #tpu.memory_space<vmem>>, %arg6: memref<1024x64xf32, #tpu.memory_space<vmem>>, %arg7: memref<1024x128xf32, #tpu.memory_space<vmem>>) attributes {dimension_semantics = [#tpu.dimension_semantics<arbitrary>], iteration_bounds = array<i64: 32>, scalar_prefetch = 0 : i64, scratch_operands = 2 : i64, tpu.core_type = #tpu.core_type<tc>, window_params = [{pipeline_mode = #tpu.pipeline_mode<synchronous>, transform_indices = @transform_0, window_bounds = array<i64: 1024, 1024>}, {pipeline_mode = #tpu.pipeline_mode<synchronous>, transform_indices = @transform_1, window_bounds = array<i64: 64, 1024>}, {transform_indices = @transform_2, window_bounds = array<i64: 4096, 128>}, {pipeline_mode = #tpu.pipeline_mode<synchronous>, transform_indices = @transform_3, window_bounds = array<i64: 1024, 64>}, {pipeline_mode = #tpu.pipeline_mode<synchronous>, transform_indices = @transform_4, window_bounds = array<i64: 1024, 1024>}]} {
    %eq3A = arith.constant 0 : i32
    %eq3A_0 = arith.cmpi eq, %arg0, %eq3A : i32
    %convert_element_type3A = arith.extui %eq3A_0 : i1 to i32
    %cond3A = arith.constant 0 : i32
    %cond3A_1 = arith.cmpi ne, %convert_element_type3A, %cond3A : i32
    scf.if %cond3A_1 {
      %get3A_44 = arith.constant 0 : index
      %get3A_45 = arith.constant 0 : index
      %get3A_46 = vector.load %arg1[%get3A_44, %get3A_45] : memref<1024x1024xf32, #tpu.memory_space<vmem>>, vector<1024x1024xf32>
      %get3A_47 = arith.constant 0 : index
      %get3A_48 = arith.constant 0 : index
      %get3A_49 = vector.load %arg2[%get3A_47, %get3A_48] : memref<64x1024xf32, #tpu.memory_space<vmem>>, vector<64x1024xf32>
      %dot_general3A_50 = arith.constant dense<0.000000e+00> : vector<1024x64xf32>
      %dot_general3A_51 = tpu.matmul %get3A_46, %get3A_49, %dot_general3A_50 {dimension_numbers = #tpu.dot_dimension_numbers<[1], [1], [0], [0], [0, 0, 1, 0], [], []>, transpose_lhs_hint = false} : vector<1024x1024xf32>, vector<64x1024xf32>, vector<1024x64xf32> -> vector<1024x64xf32>
      %swap3A_52 = arith.constant 0 : index
      %swap3A_53 = arith.constant 0 : index
      %swap3A_54 = vector.load %arg6[%swap3A_52, %swap3A_53] : memref<1024x64xf32, #tpu.memory_space<vmem>>, vector<1024x64xf32>
      tpu.vector_store %arg6[%swap3A_52, %swap3A_53], %dot_general3A_51 {strides = array<i32>} : memref<1024x64xf32, #tpu.memory_space<vmem>>, vector<1024x64xf32>,
      %broadcast_in_dim3A = arith.constant 0.000000e+00 : f32
      %broadcast_in_dim3A_55 = vector.broadcast %broadcast_in_dim3A : f32 to vector<1024x128xf32>
      %swap3A_56 = arith.constant 0 : index
      %swap3A_57 = arith.constant 0 : index
      %swap3A_58 = vector.load %arg7[%swap3A_56, %swap3A_57] : memref<1024x128xf32, #tpu.memory_space<vmem>>, vector<1024x128xf32>
      tpu.vector_store %arg7[%swap3A_56, %swap3A_57], %broadcast_in_dim3A_55 {strides = array<i32>} : memref<1024x128xf32, #tpu.memory_space<vmem>>, vector<1024x128xf32>,
    } else {
    }
    %get3A = arith.constant 0 : index
    %get3A_2 = arith.constant 0 : index
    %get3A_3 = vector.load %arg6[%get3A, %get3A_2] : memref<1024x64xf32, #tpu.memory_space<vmem>>, vector<1024x64xf32>
    %get3A_4 = arith.constant 0 : index
    %get3A_5 = arith.constant 0 : index
    %get3A_6 = vector.load %arg3[%get3A_4, %get3A_5] : memref<4096x128xf32, #tpu.memory_space<vmem>>, vector<2048x64xf32>
    %dot_general3A = arith.constant dense<0.000000e+00> : vector<1024x2048xf32>
    %dot_general3A_7 = tpu.matmul %get3A_3, %get3A_6, %dot_general3A {dimension_numbers = #tpu.dot_dimension_numbers<[1], [1], [0], [0], [0, 0, 1, 0], [], []>, transpose_lhs_hint = false} : vector<1024x64xf32>, vector<2048x64xf32>, vector<1024x2048xf32> -> vector<1024x2048xf32>
    %exp3A = math.exp %dot_general3A_7 : vector<1024x2048xf32>
    %get3A_8 = arith.constant 0 : index
    %get3A_9 = arith.constant 0 : index
    %get3A_10 = vector.load %arg7[%get3A_8, %get3A_9] : memref<1024x128xf32, #tpu.memory_space<vmem>>, vector<1024x128xf32>
    %get3A_11 = arith.constant 0 : index
    %get3A_12 = arith.constant 0 : index
    %get3A_13 = vector.load %arg3[%get3A_11, %get3A_12] : memref<4096x128xf32, #tpu.memory_space<vmem>>, vector<2048x128xf32>
    %dot_general3A_14 = arith.constant dense<0.000000e+00> : vector<1024x128xf32>
    %dot_general3A_15 = tpu.matmul %exp3A, %get3A_13, %dot_general3A_14 {dimension_numbers = #tpu.dot_dimension_numbers<[1], [0], [0], [1], [0, 0, 1, 1], [], []>, transpose_lhs_hint = false} : vector<1024x2048xf32>, vector<2048x128xf32>, vector<1024x128xf32> -> vector<1024x128xf32>
    %add3A = arith.addf %get3A_10, %dot_general3A_15 : vector<1024x128xf32>
    %swap3A = arith.constant 0 : index
    %swap3A_16 = arith.constant 0 : index
    %swap3A_17 = vector.load %arg7[%swap3A, %swap3A_16] : memref<1024x128xf32, #tpu.memory_space<vmem>>, vector<1024x128xf32>
    tpu.vector_store %arg7[%swap3A, %swap3A_16], %add3A {strides = array<i32>} : memref<1024x128xf32, #tpu.memory_space<vmem>>, vector<1024x128xf32>,
    %get3A_18 = arith.constant 0 : index
    %get3A_19 = arith.constant 0 : index
    %get3A_20 = vector.load %arg6[%get3A_18, %get3A_19] : memref<1024x64xf32, #tpu.memory_space<vmem>>, vector<1024x64xf32>
    %get3A_21 = arith.constant 2048 : index
    %get3A_22 = arith.constant 0 : index
    %get3A_23 = vector.load %arg3[%get3A_21, %get3A_22] : memref<4096x128xf32, #tpu.memory_space<vmem>>, vector<2048x64xf32>
    %dot_general3A_24 = arith.constant dense<0.000000e+00> : vector<1024x2048xf32>
    %dot_general3A_25 = tpu.matmul %get3A_20, %get3A_23, %dot_general3A_24 {dimension_numbers = #tpu.dot_dimension_numbers<[1], [1], [0], [0], [0, 0, 1, 0], [], []>, transpose_lhs_hint = false} : vector<1024x64xf32>, vector<2048x64xf32>, vector<1024x2048xf32> -> vector<1024x2048xf32>
    %exp3A_26 = math.exp %dot_general3A_25 : vector<1024x2048xf32>
    %get3A_27 = arith.constant 0 : index
    %get3A_28 = arith.constant 0 : index
    %get3A_29 = vector.load %arg7[%get3A_27, %get3A_28] : memref<1024x128xf32, #tpu.memory_space<vmem>>, vector<1024x128xf32>
    %get3A_30 = arith.constant 2048 : index
    %get3A_31 = arith.constant 0 : index
    %get3A_32 = vector.load %arg3[%get3A_30, %get3A_31] : memref<4096x128xf32, #tpu.memory_space<vmem>>, vector<2048x128xf32>
    %dot_general3A_33 = arith.constant dense<0.000000e+00> : vector<1024x128xf32>
    %dot_general3A_34 = tpu.matmul %exp3A_26, %get3A_32, %dot_general3A_33 {dimension_numbers = #tpu.dot_dimension_numbers<[1], [0], [0], [1], [0, 0, 1, 1], [], []>, transpose_lhs_hint = false} : vector<1024x2048xf32>, vector<2048x128xf32>, vector<1024x128xf32> -> vector<1024x128xf32>
    %add3A_35 = arith.addf %get3A_29, %dot_general3A_34 : vector<1024x128xf32>
    %swap3A_36 = arith.constant 0 : index
    %swap3A_37 = arith.constant 0 : index
    %swap3A_38 = vector.load %arg7[%swap3A_36, %swap3A_37] : memref<1024x128xf32, #tpu.memory_space<vmem>>, vector<1024x128xf32>
    tpu.vector_store %arg7[%swap3A_36, %swap3A_37], %add3A_35 {strides = array<i32>} : memref<1024x128xf32, #tpu.memory_space<vmem>>, vector<1024x128xf32>,
    %eq3A_39 = arith.constant 31 : i32
    %eq3A_40 = arith.cmpi eq, %arg0, %eq3A_39 : i32
    %convert_element_type3A_41 = arith.extui %eq3A_40 : i1 to i32
    %cond3A_42 = arith.constant 0 : i32
    %cond3A_43 = arith.cmpi ne, %convert_element_type3A_41, %cond3A_42 : i32
    scf.if %cond3A_43 {
      %get3A_44 = arith.constant 0 : index
      %get3A_45 = arith.constant 0 : index
      %get3A_46 = vector.load %arg7[%get3A_44, %get3A_45] : memref<1024x128xf32, #tpu.memory_space<vmem>>, vector<1024x64xf32>
      %get3A_47 = arith.constant 0 : index
      %get3A_48 = arith.constant 64 : index
      %get3A_49 = vector.load %arg7[%get3A_47, %get3A_48] : memref<1024x128xf32, #tpu.memory_space<vmem>>, vector<1024x1xf32>
      %div3A = vector.broadcast %get3A_49 : vector<1024x1xf32> to vector<1024x64xf32>
      %div3A_50 = arith.divf %get3A_46, %div3A : vector<1024x64xf32>
      %get3A_51 = arith.constant 0 : index
      %get3A_52 = arith.constant 0 : index
      %get3A_53 = vector.load %arg4[%get3A_51, %get3A_52] : memref<1024x64xf32, #tpu.memory_space<vmem>>, vector<1024x64xf32>
      %dot_general3A_54 = arith.constant dense<0.000000e+00> : vector<1024x1024xf32>
      %dot_general3A_55 = tpu.matmul %div3A_50, %get3A_53, %dot_general3A_54 {dimension_numbers = #tpu.dot_dimension_numbers<[1], [1], [0], [0], [0, 0, 1, 0], [], []>, transpose_lhs_hint = false} : vector<1024x64xf32>, vector<1024x64xf32>, vector<1024x1024xf32> -> vector<1024x1024xf32>
      %swap3A_56 = arith.constant 0 : index
      %swap3A_57 = arith.constant 0 : index
      %swap3A_58 = vector.load %arg5[%swap3A_56, %swap3A_57] : memref<1024x1024xf32, #tpu.memory_space<vmem>>, vector<1024x1024xf32>
      tpu.vector_store %arg5[%swap3A_56, %swap3A_57], %dot_general3A_55 {strides = array<i32>} : memref<1024x1024xf32, #tpu.memory_space<vmem>>, vector<1024x1024xf32>,
    } else {
    }
    return
  }
  func.func @transform_0(%arg0: i32) -> (i32, i32) {
    %c0_i32 = arith.constant 0 : i32
    %c0_i32_0 = arith.constant 0 : i32
    %c0_i32_1 = arith.constant 0 : i32
    return %c0_i32, %c0_i32_0 : i32, i32
  }
  func.func @transform_1(%arg0: i32) -> (i32, i32) {
    %c0_i32 = arith.constant 0 : i32
    %c0_i32_0 = arith.constant 0 : i32
    %c0_i32_1 = arith.constant 0 : i32
    return %c0_i32, %c0_i32_0 : i32, i32
  }
  func.func @transform_2(%arg0: i32) -> (i32, i32) {
    %c0_i32 = arith.constant 0 : i32
    %c0_i32_0 = arith.constant 0 : i32
    return %arg0, %c0_i32 : i32, i32
  }
  func.func @transform_3(%arg0: i32) -> (i32, i32) {
    %c0_i32 = arith.constant 0 : i32
    %c0_i32_0 = arith.constant 0 : i32
    %c0_i32_1 = arith.constant 0 : i32
    return %c0_i32, %c0_i32_0 : i32, i32
  }
  func.func @transform_4(%arg0: i32) -> (i32, i32) {
    %c0_i32 = arith.constant 0 : i32
    %c0_i32_0 = arith.constant 0 : i32
    %c0_i32_1 = arith.constant 0 : i32
    return %c0_i32, %c0_i32_0 : i32, i32
  }
}

</mosaic_0001>

<sc_bundles>
// kernel: gather_offload_async_start
scs
__scs_entry_jumppad:
0x0: {  	(pc) =	sbr.rel $0x88, $3  }
0x1: {  	(tag) =	ssettag $0x0;
	lr =	simm.s32 $0x1  }
0x2: {  	[smem:$0x3F9B] =	sst lr;
	_ =	strace $0xD0000000  }
0x3: {  	_ = 	snop  }
0x4: {  	_ = 	snop  }
0x5: {  	_ = 	snop  }
0x6: {  	_ = 	snop  }
0x7: {  	_ = 	snop  }
__scs_overlays_trampoline_lowered:
0x8: {  	[smem:$0x3FAA] =	sst s0  }
0x9: {  	[smem:$0x3FAB] =	sst s1  }
0xa: {  	[smem:$0x3FAC] =	sst s2  }
0xb: {  	[smem:$0x3FAD] =	sst s3  }
0xc: {  	[smem:$0x3FAE] =	sst s4  }
0xd: {  	[smem:$0x3FAF] =	sst s5  }
0xe: {  	[smem:$0x3FB0] =	sst s6  }
0xf: {  	[smem:$0x3FB1] =	sst s7  }
0x10: {  	[smem:$0x3FB2] =	sst s8  }
0x11: {  	[smem:$0x3FB3] =	sst s9;
	s0 =	simm.s32 @!p0 $0x0  }
0x12: {  	s1 =	sld [smem:$0x3F99];
	s0 =	simm.s32 @p0 $0x1  }
0x13: {  	[smem:$0x3FB4] =	sst s0;
	s0 =	simm.s32 @!p1 $0x0  }
0x14: {  	s2 =	sld [smem:$0x3F98];
	s0 =	simm.s32 @p1 $0x1  }
0x15: {  	[smem:$0x3FB5] =	sst s0;
	s0 =	simm.s32 @!p2 $0x0  }
0x16: {  	s3 =	sld [smem:$0x3FDB];
	s0 =	simm.s32 @p2 $0x1  }
0x17: {  	s4 =	simm.s32 $0x1BF5;
	[smem:$0x3FB7] =	sst s0  }
0x18: {  	s0 =	sld [smem:$0x3F9A];
	_ =	swait.ge [sflag:s4], $0x0  }
0x19: {  	s7 =	sld [smem:$0x3F9B]  }
0x1a: {  	s8 =	sadd.s32 $0xFFFFE003, lr  }
0x1b: {  	s9 =	sadd.s32 $0xFFFFFEF7, lr;
	s5 =	simm.s32 $0xFFFFFFFF;
	p2 =	slt.u32 s8, $0xFFFFF086  }
0x1c: {  	p1 =	slt.u32 s9, $0xF7A;
	s5 =	simm.s32 @!p2 $0x0  }
0x1d: {  	s5 =	simm.s32 @p1 $0x1;
	p0 =	seq.s32 s7, s2  }
0x1e: {  	s7 =	smul.u32 @!p0 $0xF7A, s2;
	p2 =	seq.s32 @!p0 s5, $0x0  }
0x1f: {  	s9 =	smul.u32 $0xF7A, s1;
	s8 =	simm.s32 @!p0 $0x1BF5;
	p2 =	por !p2, p0  }
0x20: {  	[sflag:s8] =	ssyncset.s32 @!p0 $0xFFFFF086;
	s6 =	sadd.s32 @!p0 s3, s7;
	s7 =	simm.s32 @!p0 $0x108  }
0x21: {  	s3 =	sadd.s32 s3, s9;
	s6 =	sadd.s32 @!p0 $0x88, s6;
	s7 =	simm.s32 @p2 $0x1082  }
0x22: {  	[simem:s7], [sflag:s8] =	dma.local @!p0 [hbm:s6], $0xF7A  }
0x23: {  	s9 =	sor.u32 $0xD0000000, s2;
	s6 =	simm.s32 $0x108;
	_ =	swait.ge @!p0 [sflag:s8], $0x0  }
0x24: {  	s3 =	sadd.s32 $0x88, s3;
	s6 =	simm.s32 @!p1 $0x1082;
	[sflag:s4] =	ssyncset.s32 $0xFFFFF086  }
0x25: {  	[simem:s6], [sflag:s4] =	dma.local [hbm:s3], $0xF7A  }
0x26: {  	[smem:$0x3F9B] =	sst s1;
	(tag) =	ssettag s2;
	_ =	strace s9  }
0x27: {  	s1 =	sld [smem:$0x3FAB]  }
0x28: {  	s2 =	sld [smem:$0x3FAC]  }
0x29: {  	s4 =	sld [smem:$0x3FAE]  }
0x2a: {  	p0 =	seq.s32 s5, $0x0;
	s5 =	sld [smem:$0x3FAF]  }
0x2b: {  	s6 =	sld [smem:$0x3FB0]  }
0x2c: {  	s7 =	sld [smem:$0x3FB1]  }
0x2d: {  	s3 =	simm.s32 $0x108;
	s8 =	sld [smem:$0x3FB2]  }
0x2e: {  	s3 =	simm.s32 @!p0 $0x1082;
	s9 =	sld [smem:$0x3FB3]  }
0x2f: {  	lr =	sadd.s32 s0, s3;
	s0 =	sld [smem:$0x3FAA]  }
0x30: {  	s3 =	sld [smem:$0x3FAD]  }
0x31: {  	[smem:$0x3FB6] =	sst s10  }
0x32: {  	s10 =	sld [smem:$0x3FB4];
	_ =	sdelay $0x3  }
0x33: {  	p0 =	seq.s32 s10, $0x1;
	s10 =	sld [smem:$0x3FB6];
	_ =	sdelay $0x3  }
0x34: {  	[smem:$0x3FB6] =	sst s10  }
0x35: {  	s10 =	sld [smem:$0x3FB5];
	_ =	sdelay $0x3  }
0x36: {  	p1 =	seq.s32 s10, $0x1;
	s10 =	sld [smem:$0x3FB6];
	_ =	sdelay $0x3  }
0x37: {  	[smem:$0x3FB6] =	sst s10  }
0x38: {  	s10 =	sld [smem:$0x3FB7]  }
0x39: {  	_ = 	snop;
	(pc) =	sbr.ind lr, $3  }
0x3a: {  	_ = 	snop  }
0x3b: {  	_ = 	snop  }
0x3c: {  	p2 =	seq.s32 s10, $0x1;
	s10 =	sld [smem:$0x3FB6]  }
0x3d: {  	_ =	shalt  }
0x3e: {  	_ =	shalt  }
0x3f: {  	_ =	shalt  }
0x40: {  	_ =	shalt  }
0x41: {  	_ =	shalt  }
0x42: {  	_ =	shalt  }
0x43: {  	_ =	shalt  }
0x44: {  	_ =	shalt  }
0x45: {  	_ =	shalt  }
0x46: {  	_ =	shalt  }
0x47: {  	_ =	shalt  }
0x48: {  	_ =	shalt  }
0x49: {  	_ =	shalt  }
0x4a: {  	_ =	shalt  }
0x4b: {  	_ =	shalt  }
0x4c: {  	_ =	shalt  }
0x4d: {  	_ =	shalt  }
0x4e: {  	_ =	shalt  }
0x4f: {  	_ =	shalt  }
0x50: {  	_ =	shalt  }
0x51: {  	_ =	shalt  }
0x52: {  	_ =	shalt  }
0x53: {  	_ =	shalt  }
0x54: {  	_ =	shalt  }
0x55: {  	_ =	shalt  }
0x56: {  	_ =	shalt  }
0x57: {  	_ =	shalt  }
0x58: {  	_ =	shalt  }
0x59: {  	_ =	shalt  }
0x5a: {  	_ =	shalt  }
0x5b: {  	_ =	shalt  }
0x5c: {  	_ =	shalt  }
0x5d: {  	_ =	shalt  }
0x5e: {  	_ =	shalt  }
0x5f: {  	_ =	shalt  }
0x60: {  	_ =	shalt  }
0x61: {  	_ =	shalt  }
0x62: {  	_ =	shalt  }
0x63: {  	_ =	shalt  }
0x64: {  	_ =	shalt  }
0x65: {  	_ =	shalt  }
0x66: {  	_ =	shalt  }
0x67: {  	_ =	shalt  }
0x68: {  	_ =	shalt  }
0x69: {  	_ =	shalt  }
0x6a: {  	_ =	shalt  }
0x6b: {  	_ =	shalt  }
0x6c: {  	_ =	shalt  }
0x6d: {  	_ =	shalt  }
0x6e: {  	_ =	shalt  }
0x6f: {  	_ =	shalt  }
0x70: {  	_ =	shalt  }
0x71: {  	_ =	shalt  }
0x72: {  	_ =	shalt  }
0x73: {  	_ =	shalt  }
0x74: {  	_ =	shalt  }
0x75: {  	_ =	shalt  }
0x76: {  	_ =	shalt  }
0x77: {  	_ =	shalt  }
0x78: {  	_ =	shalt  }
0x79: {  	_ =	shalt  }
0x7a: {  	_ =	shalt  }
0x7b: {  	_ =	shalt  }
0x7c: {  	_ =	shalt  }
0x7d: {  	_ =	shalt  }
0x7e: {  	_ =	shalt  }
0x7f: {  	_ =	shalt  }
0x80: {  	_ =	shalt  }
0x81: {  	_ =	shalt  }
0x82: {  	_ =	shalt  }
0x83: {  	_ =	shalt  }
0x84: {  	_ =	shalt  }
0x85: {  	_ =	shalt  }
0x86: {  	_ =	shalt  }
0x87: {  	_ =	shalt  }
.Lfunc_end0:
.L_simem_size_0:
called_computation.1_lowered:
.L_overlay_start_0:
0x88: {  	s2 =	sld [smem:$0x3FD9]  }
0x89: {  	s3 =	sld [smem:$0x3FFE];
	_ =	sdelay $0x1  }
0x8a: {  	s1 =	srdreg.scid  }
0x8b: {  	s0 =	sand.u32 $0x1, s1  }
0x8c: {  	s17 =	sshll.u32 s0, $0xA;
	s2 =	sadd.s32 s3, s2  }
0x8d: {  	s2 =	sadd.s32 s2, s17  }
0x8e: {  	[smem:$0x3FC2] =	sst s2  }
0x8f: {  	_ = 	snop  }
0x90: {  	s2 =	sld [smem:$0x3FD0];
	(tm) =	ssettm $0x1  }
0x91: {  	s18 =	sld [smem:$0x3FFB];
	_ =	sdelay $0x3  }
0x92: {  	_ =	strace s18  }
0x93: {  	s3 =	sld [smem:$0x3FFC];
	_ =	sdelay $0x3  }
0x94: {  	_ =	strace s3  }
0x95: {  	s3 =	sld [smem:$0x3FFD];
	_ =	sdelay $0x3  }
0x96: {  	_ =	strace s3  }
0x97: {  	_ =	strace $0x8FFFFFFF  }
0x98: {  	s19 =	sld [smem:$0x3FDB];
	_ =	sdelay $0x1  }
0x99: {  	s4 =	simm.s32 $_scs_section_size  }
0x9a: {  	s5 =	simm.s32 $_size__tile_overlayer_lowered;
	s6 =	simm.s32 $_tile_overlayer_lowered  }
0x9b: {  	s22 =	simm.s32 $0x1BFF;
	s21 =	sshll.u32 s6, $0x1;
	s3 =	sadd.s32 s4, s19  }
0x9c: {  	s7 =	simm.s32 $0x0;
	s20 =	sshll.u32 s5, $0x1;
	s5 =	sadd.s32 s21, s3  }
0x9d: {  	[timem:s7], [sflag:s22] =	dma.local [hbm:s5], s20  }
0x9e: {  	_ =	swait.ge [sflag:s22], s20  }
0x9f: {  	s4 =	ssub.s32 $0x0, s20;
	[sflag:s22] =	ssyncset.done $0x0  }
0xa0: {  	[sflag:s22] =	ssyncadd.s32 s4;
	_ =	sdelay $0x1  }
0xa1: {  	s23 =	simm.s32 $0x1B8B  }
0xa2: {  	_ =	swait.ge [sflag:s23], $0x1  }
0xa3: {  	[sflag:s23] =	ssyncset.done $0x0  }
0xa4: {  	s25 =	simm.s32 $0x1B8E;
	s24 =	sld [smem:$0x3FFE];
	[sflag:s23] =	ssyncadd.s32 $0xFFFFFFFF  }
0xa5: {  	s26 =	simm.s32 $execute0_lowered;
	[smem:$0x3FD2] =	sst s25  }
0xa6: {  	s5 =	sshll.u32 s26, $0x1;
	_ =	strace $0x80000049;
	[dreg:$0x1] =	wrdreg $0xFFFFFFFF  }
0xa7: {  	s28 =	simm.s32 $_size_execute0_lowered;
	s3 =	sadd.s32 s3, s5;
	[dreg:$0x0] =	wrdreg $0x0  }
0xa8: {  	s5 =	sshll.u32 s28, $0x1;
	[dreg:$0x2] =	wrdreg s3  }
0xa9: {  	[dreg:$0x3] =	wrdreg s5  }
0xaa: {  	[dreg:$0x4] =	wrdreg $0xC0  }
0xab: {  	_ =	task [dreg:s7], $0x5FFFF  }
0xac: {  	[dreg:$0x1] =	wrdreg $0xFFFFFFFF  }
0xad: {  	[dreg:$0x0] =	wrdreg $0x60  }
0xae: {  	[dreg:$0x2] =	wrdreg s2  }
0xaf: {  	[dreg:$0x3] =	wrdreg s24  }
0xb0: {  	[dreg:$0x4] =	wrdreg $0x9  }
0xb1: {  	_ =	task.clear_ibuf [dreg:s7], $0x5FFFF;
	_ =	strace $0x90000049  }
0xb2: {  	s29 =	simm.s32 $0x9;
	_ =	strace $0x8000004B  }
0xb3: {  	_ =	swait.ge [sflag:s29], $0x1  }
0xb4: {  	[sflag:s29] =	ssyncadd.s32 $0xFFFFFFFF  }
0xb5: {  	_ =	strace $0x9000004B  }
0xb6: {  	_ =	sfence  }
0xb7: {  	s30 =	sld [smem:$0x0];
	_ =	sdelay $0x2  }
0xb8: {  	s31 =	sshll.u32 s1, $0xD;
	s1 =	sshrl.u32 s1, $0x2  }
0xb9: {  	s3 =	sand.u32 $0x4000, s31;
	s1 =	sadd.s32 s1, s30  }
0xba: {  	s0 =	sor.u32 s3, s0;
	s1 =	sshll.u32 s1, $0x11  }
0xbb: {  	s0 =	sor.u32 s1, s0  }
0xbc: {  	s0 =	sadd.s32 $0x8F2B, s0  }
0xbd: {  	[sflag:s0] =	ssyncadd.remote.s32 $0x1  }
0xbe: {  	_ =	sfence.sel $0xFFFF  }
0xbf: {  	[dreg:$0x0] =	wrdreg $0xFFFFFFFF;
	(pc) =	sbr.abs _section_cstart, $3  }
0xc0: {  	[dreg:$0x1] =	wrdreg $0xFFFFFFFF  }
0xc1: {  	_ =	task.clear_ibuf [dreg:s7], $0x2FFFF;
	_ =	strace $0x9FFFFFFF  }
0xc2: {  	(tm) =	ssettm $0x7FFFFFFF  }
0xc3: {  	_ =	shalt  }
tec
execute0_lowered:
.L_overlay_start_1:
0x0: {  	(tag) =	ssettag $0x1  }
0x1: {  	s1 =	srdreg.scid;
	s2 =	rddreg [dreg:$0x0]  }
0x2: {  	s0 =	stileid.u32;
	s5 =	rddreg [dreg:$0x1];
	s6 =	simm.s32 $0x1  }
0x3: {  	s9 =	simm.s32 $0x1;
	s10 =	simm.s32 $0x3;
	s1 =	sshll.u32 s1, $0x9  }
0x4: {  	s13 =	simm.s32 $0x0;
	s3 =	sshll.u32 s0, $0xA;
	s4 =	sand.u32 $0x200, s1  }
0x5: {  	s12 =	simm.s32 $0x0;
	s1 =	rddreg [dreg:$0x2];
	s3 =	sor.u32 s3, s4  }
0x6: {  	_ =	strace $0x8000004A;
	s4 =	sadd.s32 $0x1800, s5;
	s8 =	ssub.s32 $0x8000, s3  }
.Ltmp0:
0x7: {  	s5 =	sadd.s32 $0x82800, s5;
	s7 =	sand.u32 $0x3E00, s8;
	(pc) =	sbr.rel .LBB2_1-.Ltmp0, $4  }
0x8: {  	[sflag:s6] =	ssyncpa.u1 $0x0;
	s11 =	smov.u32 s3;
	p0 =	sne.s32 s7, $0x0  }
0x9: {  	s8 =	sshrl.u32 s8, $0xE;
	s7 =	simm.s32 $0x2;
	s9 =	simm.s32 @!p0 $0x0  }
0xa: {  	[sflag:s7] =	ssyncpa.u1 $0x0;
	p0 =	por $0x0, $0x0;
	s8 =	sadd.s32 s9, s8  }
0xb: {  	vm0 =	vmmov $0xffff;
	[sflag:s10] =	ssyncpa.u1 $0x0;
	s10 =	simm.s32 $0x0;
	s9 =	sadd.s32 $0x1, s8  }
.LBB2_4:
0xc: {  	v2 =	vnsel vm1, $0x0, v2  }
0xd: {  	vm1 =	vgt.s32 v0, $0x0;
	v2 =	vmin.u32 v2, $0x1FFFF  }
0xe: {  	v0 =	vnsel vm1, $0x0, v0  }
0xf: {  	v0 =	vmin.u32 v0, $0x1FFFF  }
0x10: {  	[tilespmem:s15], [sflag:$0x1] =	stream.indirect_vreg.gather [hbm4b:s2+s10], $0x1, v1, vm0, $0x4038;
	[tilespmem:$0x800] =	vst v63  }
0x11: {  	(ifvalue) =	ssetifvalue $0x7FFFFFFF  }
0x12: {  	[tilespmem:s16], [sflag:$0x1] =	stream.indirect_vreg.gather [hbm4b:s2+s10], $0x1, v2, vm0, $0x4038;
	[tilespmem:$0x800] =	vst v63  }
0x13: {  	s29 =	sadd.s32 $0x10, s16;
	(ifvalue) =	ssetifvalue $0x7FFFFFFF  }
0x14: {  	[tilespmem:s29], [sflag:$0x1] =	stream.indirect_vreg.gather [hbm4b:s2+s10], $0x1, v0, vm0, $0x4038;
	[tilespmem:$0x800] =	vst v63  }
0x15: {  	_ =	swait.ge [sflag:s6], $0x200  }
0x16: {  	s30 =	sshrl.u32 s13, $0x3;
	[sflag:s6] =	ssyncset.done $0x0  }
0x17: {  	s31 =	sand.u32 $0x7, s13;
	s15 =	sadd.s32 s5, s30;
	[sflag:s6] =	ssyncadd.s32 $0xFFFFFE00  }
0x18: {  	[hbm4b:s15+s31] =	stream.linear.scatter [tilespmem:s14], [sflag:$0x3], $0x200, $0x38;
	[tilespmem:$0x800] =	vst v63  }
.LBB2_5:
0x19: {  	s15 =	sadd.s32 $0x4000, s11  }
0x1a: {  	p2 =	sgt.s32 s15, $0x7FFF  }
0x1b: {  	s15 =	smov.u32 @p2 s3;
	p2 =	sne.s32 s12, s9  }
.Ltmp1:
0x1c: {  	p1 =	slt.u32 s12, $0x2;
	(pc) =	sbr.rel @!p2 .LBB2_6-.Ltmp1, $4  }
0x1d: {  	s14 =	simm.s32 @!p1 $0x3  }
0x1e: {  	s16 =	sadd.s32 $0x1, s12;
	_ =	swait.ge @!p1 [sflag:s14], $0x200  }
0x1f: {  	s13 =	smov.u32 s11;
	p0 =	por !p0, !p0;
	[sflag:s14] =	ssyncset.done @!p1 $0x0  }
0x20: {  	s12 =	smov.u32 s16;
	s11 =	smov.u32 s15;
	[sflag:s14] =	ssyncadd.s32 @!p1 $0xFFFFFE00  }
.LBB2_1:
0x21: {  	p1 =	sge.u32 s12, s8  }
0x22: {  	s14 =	sxor.u32 @!p1 $0xFFFFFFFF, s12  }
0x23: {  	s31 =	sadd.s32 $0xFFFFFFFF, s12;
	s15 =	sshrl.u32 @!p1 s11, $0x3;
	s14 =	sshll.u32 @!p1 s14, $0x9  }
0x24: {  	s16 =	sand.u32 @!p1 $0x7, s11;
	s15 =	sadd.s32 @!p1 s4, s15;
	s14 =	sand.u32 @!p1 $0x200, s14  }
0x25: {  	[tilespmem:s14], [sflag:$0x2] =	stream.linear.gather @!p1 [hbm4b:s15+s16], $0x200, $0x38;
	[tilespmem:$0x800] =	vst v63  }
0x26: {  	p1 =	sge.u32 s31, s8  }
.Ltmp2:
0x27: {  	_ = 	snop;
	(pc) =	sbr.rel @p1 .LBB2_5-.Ltmp2, $1  }
0x28: {  	_ =	sdelay $0x3  }
0x29: {  	s14 =	simm.s32 $0x1  }
0x2a: {  	_ =	swait.ge [sflag:s7], $0x200;
	s14 =	simm.s32 @!p0 $0x0  }
0x2b: {  	[sflag:s7] =	ssyncset.done $0x0;
	s14 =	sshll.u32 s14, $0x9  }
0x2c: {  	[sflag:s7] =	ssyncadd.s32 $0xFFFFFE00;
	(ifvalue) =	ssetifvalue $0x7FFFFFFF;
	v0 =	vld.msk [tilespmem:s14+$0x0 ss:$0x1], $0xffff;
	_ =	sdelay $0x4  }
0x2d: {  	s15 =	sadd.s32 $0x10, s14;
	vm1 =	vgt.s32 v0, $0x0  }
0x2e: {  	v2 =	vld.msk [tilespmem:s15+$0x0 ss:$0x1], $0xffff;
	v1 =	vnsel vm1, $0x0, v0  }
0x2f: {  	v1 =	vmin.u32 v1, $0x1FFFF;
	_ =	sdelay $0x1  }
0x30: {  	s16 =	sshll.u32 s12, $0x9;
	s18 =	simm.s32 $0x20  }
0x31: {  	s16 =	sand.u32 $0x200, s16;
	s17 =	sadd.s32 $0x10, s15;
	s15 =	sor.u32 $0x400, s14  }
0x32: {  	s14 =	sor.u32 $0x400, s16;
	s16 =	sadd.s32 $0x10, s15;
	v0 =	vld.msk [tilespmem:s17+$0x0 ss:$0x1], $0xffff;
	vm1 =	vgt.s32 v2, $0x0;
	(ifvalue) =	ssetifvalue $0x7FFFFFFF  }
.LBB2_3:
0x33: {  	[tilespmem:s15], [sflag:$0x1] =	stream.indirect_vreg.gather [hbm4b:s2+s10], $0x1, v1, vm0, $0x4038;
	[tilespmem:$0x800] =	vst v63  }
0x34: {  	s18 =	sadd.s32 $0x10, s18  }
0x35: {  	v2 =	vnsel vm1, $0x0, v2;
	p1 =	slt.u32 s18, $0x1F0  }
.Ltmp3:
0x36: {  	s15 =	smov.u32 s16;
	v1 =	vmin.u32 v2, $0x1FFFF;
	(pc) =	sbr.rel @p1 .LBB2_3-.Ltmp3, $3  }
0x37: {  	_ =	sdelay $0x1  }
0x38: {  	s17 =	sadd.s32 $0x10, s17  }
0x39: {  	vm1 =	vgt.s32 v0, $0x0;
	s16 =	sadd.s32 $0x10, s16;
	v2 =	vmov v0;
	(ifvalue) =	ssetifvalue $0x7FFFFFFF;
	v0 =	vld.msk [tilespmem:s17+$0x0 ss:$0x1], $0xffff  }
.Ltmp4:
0x3a: {  	_ = 	snop;
	(pc) =	sbr.rel .LBB2_4-.Ltmp4, $1  }
0x3b: {  	_ =	sdelay $0x3  }
.LBB2_6:
0x3c: {  	_ =	sfence.sel $0x180000  }
0x3d: {  	s2 =	simm.s32 $0x2;
	[bflag:$0x0] =	sbarrier.arrive $0xFFFF  }
0x3e: {  	s30 =	simm.s32 $0x3;
	[sflag:s2] =	ssyncpa.u1 $0x1  }
0x3f: {  	s31 =	simm.s32 $0x1;
	[sflag:s30] =	ssyncpa.u1 $0x1  }
0x40: {  	[sflag:s31] =	ssyncpa.u1 $0x1  }
0x41: {  	p0 =	sne.s32 s0, $0x0;
	_ =	strace $0x9000004A  }
0x42: {  	s0 =	sadd.s32 @!p0 $0x100000, s1;
	[bflag:$0x2] =	sbarrier.arrive $0xFFFF  }
0x43: {  	[sflag:s0] =	ssyncadd.tile.s32 @!p0 $0x1;
	_ =	shalt  }
.Lfunc_end2:
_tile_overlayer_lowered:
.L_overlay_start_2:
0x44: {  	(tag) =	ssettag $0x2  }
0x45: {  	s0 =	rddreg [dreg:$0x0];
	s2 =	stileid.u32  }
0x46: {  	s1 =	rddreg [dreg:$0x1];
	p0 =	sne.s32 s2, $0x0  }
0x47: {  	s3 =	rddreg [dreg:$0x2];
	[bflag:$0x3] =	sbarrier.arrive $0xFFFF;
	s2 =	simm.s32 @!p0 $0x1C01  }
0x48: {  	[timem:s3], [sflag:s2] =	dma.local @!p0 [hbm:s0], s1  }
0x49: {  	s0 =	simm.s32 @!p0 $0x1  }
0x4a: {  	_ =	swait.ge @!p0 [sflag:s0], s1  }
0x4b: {  	s1 =	ssub.s32 @!p0 $0x0, s1;
	[sflag:s0] =	ssyncset.done @!p0 $0x0  }
0x4c: {  	[sflag:s0] =	ssyncadd.s32 @!p0 s1  }
0x4d: {  	[bflag:$0x3] =	sbarrier.arrive $0xFFFF  }
0x4e: {  	_ =	shalt  }

// kernel: kernel.5.cloned.1.call-start
scs
__scs_entry_jumppad:
0x0: {  	(pc) =	sbr.rel $0x88, $3  }
0x1: {  	(tag) =	ssettag $0x0;
	lr =	simm.s32 $0x1  }
0x2: {  	[smem:$0x3F9B] =	sst lr;
	_ =	strace $0xD0000000  }
0x3: {  	_ = 	snop  }
0x4: {  	_ = 	snop  }
0x5: {  	_ = 	snop  }
0x6: {  	_ = 	snop  }
0x7: {  	_ = 	snop  }
__scs_overlays_trampoline_lowered:
0x8: {  	[smem:$0x3FAA] =	sst s0  }
0x9: {  	[smem:$0x3FAB] =	sst s1  }
0xa: {  	[smem:$0x3FAC] =	sst s2  }
0xb: {  	[smem:$0x3FAD] =	sst s3  }
0xc: {  	[smem:$0x3FAE] =	sst s4  }
0xd: {  	[smem:$0x3FAF] =	sst s5  }
0xe: {  	[smem:$0x3FB0] =	sst s6  }
0xf: {  	[smem:$0x3FB1] =	sst s7  }
0x10: {  	[smem:$0x3FB2] =	sst s8  }
0x11: {  	[smem:$0x3FB3] =	sst s9;
	s0 =	simm.s32 @!p0 $0x0  }
0x12: {  	s1 =	sld [smem:$0x3F99];
	s0 =	simm.s32 @p0 $0x1  }
0x13: {  	[smem:$0x3FB4] =	sst s0;
	s0 =	simm.s32 @!p1 $0x0  }
0x14: {  	s2 =	sld [smem:$0x3F98];
	s0 =	simm.s32 @p1 $0x1  }
0x15: {  	[smem:$0x3FB5] =	sst s0;
	s0 =	simm.s32 @!p2 $0x0  }
0x16: {  	s3 =	sld [smem:$0x3FDB];
	s0 =	simm.s32 @p2 $0x1  }
0x17: {  	s4 =	simm.s32 $0x1BF5;
	[smem:$0x3FB7] =	sst s0  }
0x18: {  	s0 =	sld [smem:$0x3F9A];
	_ =	swait.ge [sflag:s4], $0x0  }
0x19: {  	s7 =	sld [smem:$0x3F9B]  }
0x1a: {  	s8 =	sadd.s32 $0xFFFFE003, lr  }
0x1b: {  	s9 =	sadd.s32 $0xFFFFFEF7, lr;
	s5 =	simm.s32 $0xFFFFFFFF;
	p2 =	slt.u32 s8, $0xFFFFF086  }
0x1c: {  	p1 =	slt.u32 s9, $0xF7A;
	s5 =	simm.s32 @!p2 $0x0  }
0x1d: {  	s5 =	simm.s32 @p1 $0x1;
	p0 =	seq.s32 s7, s2  }
0x1e: {  	s7 =	smul.u32 @!p0 $0xF7A, s2;
	p2 =	seq.s32 @!p0 s5, $0x0  }
0x1f: {  	s9 =	smul.u32 $0xF7A, s1;
	s8 =	simm.s32 @!p0 $0x1BF5;
	p2 =	por !p2, p0  }
0x20: {  	[sflag:s8] =	ssyncset.s32 @!p0 $0xFFFFF086;
	s6 =	sadd.s32 @!p0 s3, s7;
	s7 =	simm.s32 @!p0 $0x108  }
0x21: {  	s3 =	sadd.s32 s3, s9;
	s6 =	sadd.s32 @!p0 $0x88, s6;
	s7 =	simm.s32 @p2 $0x1082  }
0x22: {  	[simem:s7], [sflag:s8] =	dma.local @!p0 [hbm:s6], $0xF7A  }
0x23: {  	s9 =	sor.u32 $0xD0000000, s2;
	s6 =	simm.s32 $0x108;
	_ =	swait.ge @!p0 [sflag:s8], $0x0  }
0x24: {  	s3 =	sadd.s32 $0x88, s3;
	s6 =	simm.s32 @!p1 $0x1082;
	[sflag:s4] =	ssyncset.s32 $0xFFFFF086  }
0x25: {  	[simem:s6], [sflag:s4] =	dma.local [hbm:s3], $0xF7A  }
0x26: {  	[smem:$0x3F9B] =	sst s1;
	(tag) =	ssettag s2;
	_ =	strace s9  }
0x27: {  	s1 =	sld [smem:$0x3FAB]  }
0x28: {  	s2 =	sld [smem:$0x3FAC]  }
0x29: {  	s4 =	sld [smem:$0x3FAE]  }
0x2a: {  	p0 =	seq.s32 s5, $0x0;
	s5 =	sld [smem:$0x3FAF]  }
0x2b: {  	s6 =	sld [smem:$0x3FB0]  }
0x2c: {  	s7 =	sld [smem:$0x3FB1]  }
0x2d: {  	s3 =	simm.s32 $0x108;
	s8 =	sld [smem:$0x3FB2]  }
0x2e: {  	s3 =	simm.s32 @!p0 $0x1082;
	s9 =	sld [smem:$0x3FB3]  }
0x2f: {  	lr =	sadd.s32 s0, s3;
	s0 =	sld [smem:$0x3FAA]  }
0x30: {  	s3 =	sld [smem:$0x3FAD]  }
0x31: {  	[smem:$0x3FB6] =	sst s10  }
0x32: {  	s10 =	sld [smem:$0x3FB4];
	_ =	sdelay $0x3  }
0x33: {  	p0 =	seq.s32 s10, $0x1;
	s10 =	sld [smem:$0x3FB6];
	_ =	sdelay $0x3  }
0x34: {  	[smem:$0x3FB6] =	sst s10  }
0x35: {  	s10 =	sld [smem:$0x3FB5];
	_ =	sdelay $0x3  }
0x36: {  	p1 =	seq.s32 s10, $0x1;
	s10 =	sld [smem:$0x3FB6];
	_ =	sdelay $0x3  }
0x37: {  	[smem:$0x3FB6] =	sst s10  }
0x38: {  	s10 =	sld [smem:$0x3FB7]  }
0x39: {  	_ = 	snop;
	(pc) =	sbr.ind lr, $3  }
0x3a: {  	_ = 	snop  }
0x3b: {  	_ = 	snop  }
0x3c: {  	p2 =	seq.s32 s10, $0x1;
	s10 =	sld [smem:$0x3FB6]  }
0x3d: {  	_ =	shalt  }
0x3e: {  	_ =	shalt  }
0x3f: {  	_ =	shalt  }
0x40: {  	_ =	shalt  }
0x41: {  	_ =	shalt  }
0x42: {  	_ =	shalt  }
0x43: {  	_ =	shalt  }
0x44: {  	_ =	shalt  }
0x45: {  	_ =	shalt  }
0x46: {  	_ =	shalt  }
0x47: {  	_ =	shalt  }
0x48: {  	_ =	shalt  }
0x49: {  	_ =	shalt  }
0x4a: {  	_ =	shalt  }
0x4b: {  	_ =	shalt  }
0x4c: {  	_ =	shalt  }
0x4d: {  	_ =	shalt  }
0x4e: {  	_ =	shalt  }
0x4f: {  	_ =	shalt  }
0x50: {  	_ =	shalt  }
0x51: {  	_ =	shalt  }
0x52: {  	_ =	shalt  }
0x53: {  	_ =	shalt  }
0x54: {  	_ =	shalt  }
0x55: {  	_ =	shalt  }
0x56: {  	_ =	shalt  }
0x57: {  	_ =	shalt  }
0x58: {  	_ =	shalt  }
0x59: {  	_ =	shalt  }
0x5a: {  	_ =	shalt  }
0x5b: {  	_ =	shalt  }
0x5c: {  	_ =	shalt  }
0x5d: {  	_ =	shalt  }
0x5e: {  	_ =	shalt  }
0x5f: {  	_ =	shalt  }
0x60: {  	_ =	shalt  }
0x61: {  	_ =	shalt  }
0x62: {  	_ =	shalt  }
0x63: {  	_ =	shalt  }
0x64: {  	_ =	shalt  }
0x65: {  	_ =	shalt  }
0x66: {  	_ =	shalt  }
0x67: {  	_ =	shalt  }
0x68: {  	_ =	shalt  }
0x69: {  	_ =	shalt  }
0x6a: {  	_ =	shalt  }
0x6b: {  	_ =	shalt  }
0x6c: {  	_ =	shalt  }
0x6d: {  	_ =	shalt  }
0x6e: {  	_ =	shalt  }
0x6f: {  	_ =	shalt  }
0x70: {  	_ =	shalt  }
0x71: {  	_ =	shalt  }
0x72: {  	_ =	shalt  }
0x73: {  	_ =	shalt  }
0x74: {  	_ =	shalt  }
0x75: {  	_ =	shalt  }
0x76: {  	_ =	shalt  }
0x77: {  	_ =	shalt  }
0x78: {  	_ =	shalt  }
0x79: {  	_ =	shalt  }
0x7a: {  	_ =	shalt  }
0x7b: {  	_ =	shalt  }
0x7c: {  	_ =	shalt  }
0x7d: {  	_ =	shalt  }
0x7e: {  	_ =	shalt  }
0x7f: {  	_ =	shalt  }
0x80: {  	_ =	shalt  }
0x81: {  	_ =	shalt  }
0x82: {  	_ =	shalt  }
0x83: {  	_ =	shalt  }
0x84: {  	_ =	shalt  }
0x85: {  	_ =	shalt  }
0x86: {  	_ =	shalt  }
0x87: {  	_ =	shalt  }
.Lfunc_end0:
.L_simem_size_0:
called_computation.2_lowered:
.L_overlay_start_0:
0x88: {  	s2 =	sld [smem:$0x3FD9]  }
0x89: {  	s3 =	sld [smem:$0x3FFE];
	_ =	sdelay $0x1  }
0x8a: {  	s1 =	srdreg.scid  }
0x8b: {  	s0 =	sand.u32 $0x1, s1  }
0x8c: {  	s17 =	sshll.u32 s0, $0xA;
	s2 =	sadd.s32 s3, s2  }
0x8d: {  	s2 =	sadd.s32 s2, s17  }
0x8e: {  	[smem:$0x3FC2] =	sst s2  }
0x8f: {  	_ = 	snop  }
0x90: {  	s2 =	sld [smem:$0x3FD0];
	(tm) =	ssettm $0x1  }
0x91: {  	s18 =	sld [smem:$0x3FFB];
	_ =	sdelay $0x3  }
0x92: {  	_ =	strace s18  }
0x93: {  	s3 =	sld [smem:$0x3FFC];
	_ =	sdelay $0x3  }
0x94: {  	_ =	strace s3  }
0x95: {  	s3 =	sld [smem:$0x3FFD];
	_ =	sdelay $0x3  }
0x96: {  	_ =	strace s3  }
0x97: {  	_ =	strace $0x8FFFFFFF  }
0x98: {  	s19 =	sld [smem:$0x3FDB];
	_ =	sdelay $0x1  }
0x99: {  	s4 =	simm.s32 $_scs_section_size  }
0x9a: {  	s5 =	simm.s32 $_size__tile_overlayer_lowered;
	s6 =	simm.s32 $_tile_overlayer_lowered  }
0x9b: {  	s22 =	simm.s32 $0x1BFF;
	s21 =	sshll.u32 s6, $0x1;
	s3 =	sadd.s32 s4, s19  }
0x9c: {  	s7 =	simm.s32 $0x0;
	s20 =	sshll.u32 s5, $0x1;
	s5 =	sadd.s32 s21, s3  }
0x9d: {  	[timem:s7], [sflag:s22] =	dma.local [hbm:s5], s20  }
0x9e: {  	_ =	swait.ge [sflag:s22], s20  }
0x9f: {  	s4 =	ssub.s32 $0x0, s20;
	[sflag:s22] =	ssyncset.done $0x0  }
0xa0: {  	[sflag:s22] =	ssyncadd.s32 s4;
	_ =	sdelay $0x1  }
0xa1: {  	s23 =	simm.s32 $0x1B8B  }
0xa2: {  	_ =	swait.ge [sflag:s23], $0x1  }
0xa3: {  	[sflag:s23] =	ssyncset.done $0x0  }
0xa4: {  	s25 =	simm.s32 $0x1B8E;
	s24 =	sld [smem:$0x3FFE];
	[sflag:s23] =	ssyncadd.s32 $0xFFFFFFFF  }
0xa5: {  	s26 =	simm.s32 $execute0_lowered;
	[smem:$0x3FD2] =	sst s25  }
0xa6: {  	s5 =	sshll.u32 s26, $0x1;
	_ =	strace $0x8000004C;
	[dreg:$0x1] =	wrdreg $0xFFFFFFFF  }
0xa7: {  	s28 =	simm.s32 $_size_execute0_lowered;
	s3 =	sadd.s32 s3, s5;
	[dreg:$0x0] =	wrdreg $0x0  }
0xa8: {  	s5 =	sshll.u32 s28, $0x1;
	[dreg:$0x2] =	wrdreg s3  }
0xa9: {  	[dreg:$0x3] =	wrdreg s5  }
0xaa: {  	[dreg:$0x4] =	wrdreg $0xC0  }
0xab: {  	_ =	task [dreg:s7], $0x5FFFF  }
0xac: {  	[dreg:$0x1] =	wrdreg $0xFFFFFFFF  }
0xad: {  	[dreg:$0x0] =	wrdreg $0x60  }
0xae: {  	[dreg:$0x2] =	wrdreg s24  }
0xaf: {  	[dreg:$0x3] =	wrdreg s2  }
0xb0: {  	[dreg:$0x4] =	wrdreg $0x9  }
0xb1: {  	_ =	task.clear_ibuf [dreg:s7], $0x5FFFF;
	_ =	strace $0x9000004C  }
0xb2: {  	s29 =	simm.s32 $0x9;
	_ =	strace $0x8000004E  }
0xb3: {  	_ =	swait.ge [sflag:s29], $0x1  }
0xb4: {  	[sflag:s29] =	ssyncadd.s32 $0xFFFFFFFF  }
0xb5: {  	_ =	strace $0x9000004E  }
0xb6: {  	_ =	sfence  }
0xb7: {  	s30 =	sld [smem:$0x0];
	_ =	sdelay $0x2  }
0xb8: {  	s31 =	sshll.u32 s1, $0xD;
	s1 =	sshrl.u32 s1, $0x2  }
0xb9: {  	s3 =	sand.u32 $0x4000, s31;
	s1 =	sadd.s32 s1, s30  }
0xba: {  	s0 =	sor.u32 s3, s0;
	s1 =	sshll.u32 s1, $0x11  }
0xbb: {  	s0 =	sor.u32 s1, s0  }
0xbc: {  	s0 =	sadd.s32 $0x8F2B, s0  }
0xbd: {  	[sflag:s0] =	ssyncadd.remote.s32 $0x1  }
0xbe: {  	_ =	sfence.sel $0xFFFF  }
0xbf: {  	[dreg:$0x0] =	wrdreg $0xFFFFFFFF;
	(pc) =	sbr.abs _section_cstart, $3  }
0xc0: {  	[dreg:$0x1] =	wrdreg $0xFFFFFFFF  }
0xc1: {  	_ =	task.clear_ibuf [dreg:s7], $0x2FFFF;
	_ =	strace $0x9FFFFFFF  }
0xc2: {  	(tm) =	ssettm $0x7FFFFFFF  }
0xc3: {  	_ =	shalt  }
tec
execute0_lowered:
.L_overlay_start_1:
0x0: {  	(tag) =	ssettag $0x1  }
0x1: {  	s1 =	srdreg.scid  }
0x2: {  	s10 =	rddreg [dreg:$0x0];
	s0 =	stileid.u32;
	s25 =	sand.u32 $0x1, s1  }
0x3: {  	s3 =	rddreg [dreg:$0x1];
	s4 =	sshll.u32 s0, $0x4;
	s5 =	sshll.u32 s25, $0x3  }
0x4: {  	s2 =	simm.s32 $0x0;
	s1 =	rddreg [dreg:$0x2];
	s5 =	sor.u32 s5, s4  }
0x5: {  	[smem:$0x7FF] =	sst s2;
	s4 =	sshll.u32 s5, $0x4  }
0x6: {  	_ =	strace $0x8000004D;
	s3 =	sadd.s32 s3, s4;
	s4 =	simm.s32 $0x4  }
0x7: {  	[tilespmem:s2], [sflag:$0x4] =	stream.linear.gather [hbm4b:s3+s2], $0x400, $0x38;
	[tilespmem:$0x8400] =	vst v63  }
0x8: {  	s6 =	simm.s32 $0x400;
	_ =	swait.ge [sflag:s4], $0x400  }
0x9: {  	s22 =	sadd.s32 $0x2800, s10;
	s24 =	sshll.u32 s5, $0xB;
	[sflag:s4] =	ssyncset.done $0x0  }
0xa: {  	s23 =	sadd.s32 $0x3000, s10;
	s5 =	sadd.s32 s22, s24;
	[sflag:s4] =	ssyncadd.s32 $0xFFFFFC00  }
0xb: {  	[tilespmem:s6], [sflag:$0x2] =	stream.linear.gather [hbm4b:s5+s2], $0x4000, $0x38;
	[tilespmem:$0x8400] =	vst v63  }
0xc: {  	s8 =	simm.s32 $0x4400;
	s9 =	simm.s32 $0x2;
	s7 =	sadd.s32 s24, s23  }
0xd: {  	[tilespmem:s8], [sflag:$0x1] =	stream.linear.gather [hbm4b:s7+s2], $0x4000, $0x38;
	[tilespmem:$0x8400] =	vst v63  }
0xe: {  	_ =	swait.ge [sflag:s9], $0x4000  }
0xf: {  	s11 =	simm.s32 $0x80;
	[sflag:s9] =	ssyncset.done $0x0  }
0x10: {  	s12 =	simm.s32 $0x1;
	s10 =	sadd.s32 $0x202800, s10;
	[sflag:s9] =	ssyncadd.s32 $0xFFFFC000  }
0x11: {  	[hbm4b:s10+s11] =	stream.indirect.scatter [tilespmem:s6], [sflag:$0x3], $0x80, s2, s11, $0xb8;
	[tilespmem:$0x8400] =	vst v63  }
0x12: {  	_ =	swait.ge [sflag:s12], $0x4000  }
0x13: {  	[sflag:s12] =	ssyncset.done $0x0  }
0x14: {  	s13 =	simm.s32 $0x3;
	[sflag:s12] =	ssyncadd.s32 $0xFFFFC000  }
0x15: {  	[hbm4b:s10+s11] =	stream.indirect.scatter [tilespmem:s8], [sflag:$0x3], $0x80, s11, s11, $0xb8;
	[tilespmem:$0x8400] =	vst v63  }
0x16: {  	_ =	swait.ge [sflag:s13], $0x4000  }
0x17: {  	[sflag:s13] =	ssyncset.done $0x0  }
0x18: {  	[sflag:s13] =	ssyncadd.s32 $0xFFFFC000  }
0x19: {  	_ =	swait.ge [sflag:s13], $0x4000  }
0x1a: {  	s15 =	sor.u32 $0x1000, s24;
	[sflag:s13] =	ssyncset.done $0x0  }
0x1b: {  	s14 =	sadd.s32 s22, s15;
	[sflag:s13] =	ssyncadd.s32 $0xFFFFC000  }
0x1c: {  	[tilespmem:s6], [sflag:$0x2] =	stream.linear.gather [hbm4b:s14+s2], $0x4000, $0x38;
	[tilespmem:$0x8400] =	vst v63  }
0x1d: {  	s15 =	sadd.s32 s15, s23  }
0x1e: {  	[tilespmem:s8], [sflag:$0x1] =	stream.linear.gather [hbm4b:s15+s2], $0x4000, $0x38;
	[tilespmem:$0x8400] =	vst v63  }
0x1f: {  	_ =	swait.ge [sflag:s9], $0x4000  }
0x20: {  	[sflag:s9] =	ssyncset.done $0x0  }
0x21: {  	s16 =	simm.s32 $0x100;
	[sflag:s9] =	ssyncadd.s32 $0xFFFFC000  }
0x22: {  	[hbm4b:s10+s11] =	stream.indirect.scatter [tilespmem:s6], [sflag:$0x3], $0x80, s16, s11, $0xb8;
	[tilespmem:$0x8400] =	vst v63  }
0x23: {  	_ =	swait.ge [sflag:s12], $0x4000  }
0x24: {  	[sflag:s12] =	ssyncset.done $0x0  }
0x25: {  	s17 =	simm.s32 $0x180;
	[sflag:s12] =	ssyncadd.s32 $0xFFFFC000  }
0x26: {  	[hbm4b:s10+s11] =	stream.indirect.scatter [tilespmem:s8], [sflag:$0x3], $0x80, s17, s11, $0xb8;
	[tilespmem:$0x8400] =	vst v63  }
0x27: {  	_ =	swait.ge [sflag:s13], $0x4000  }
0x28: {  	[sflag:s13] =	ssyncset.done $0x0  }
0x29: {  	[sflag:s13] =	ssyncadd.s32 $0xFFFFC000  }
0x2a: {  	_ =	swait.ge [sflag:s13], $0x4000  }
0x2b: {  	s19 =	sor.u32 $0x2000, s24;
	[sflag:s13] =	ssyncset.done $0x0  }
0x2c: {  	s18 =	sadd.s32 s22, s19;
	[sflag:s13] =	ssyncadd.s32 $0xFFFFC000  }
0x2d: {  	[tilespmem:s6], [sflag:$0x2] =	stream.linear.gather [hbm4b:s18+s2], $0x4000, $0x38;
	[tilespmem:$0x8400] =	vst v63  }
0x2e: {  	s19 =	sadd.s32 s19, s23  }
0x2f: {  	[tilespmem:s8], [sflag:$0x1] =	stream.linear.gather [hbm4b:s19+s2], $0x4000, $0x38;
	[tilespmem:$0x8400] =	vst v63  }
0x30: {  	_ =	swait.ge [sflag:s9], $0x4000  }
0x31: {  	[sflag:s9] =	ssyncset.done $0x0  }
0x32: {  	s20 =	simm.s32 $0x200;
	[sflag:s9] =	ssyncadd.s32 $0xFFFFC000  }
0x33: {  	[hbm4b:s10+s11] =	stream.indirect.scatter [tilespmem:s6], [sflag:$0x3], $0x80, s20, s11, $0xb8;
	[tilespmem:$0x8400] =	vst v63  }
0x34: {  	_ =	swait.ge [sflag:s12], $0x4000  }
0x35: {  	[sflag:s12] =	ssyncset.done $0x0  }
0x36: {  	s21 =	simm.s32 $0x280;
	[sflag:s12] =	ssyncadd.s32 $0xFFFFC000  }
0x37: {  	[hbm4b:s10+s11] =	stream.indirect.scatter [tilespmem:s8], [sflag:$0x3], $0x80, s21, s11, $0xb8;
	[tilespmem:$0x8400] =	vst v63  }
0x38: {  	_ =	swait.ge [sflag:s13], $0x4000  }
0x39: {  	[sflag:s13] =	ssyncset.done $0x0  }
0x3a: {  	[sflag:s13] =	ssyncadd.s32 $0xFFFFC000  }
0x3b: {  	_ =	swait.ge [sflag:s13], $0x4000  }
0x3c: {  	s24 =	sor.u32 $0x3000, s24;
	[sflag:s13] =	ssyncset.done $0x0  }
0x3d: {  	s22 =	sadd.s32 s22, s24;
	[sflag:s13] =	ssyncadd.s32 $0xFFFFC000  }
0x3e: {  	[tilespmem:s6], [sflag:$0x2] =	stream.linear.gather [hbm4b:s22+s2], $0x4000, $0x38;
	[tilespmem:$0x8400] =	vst v63  }
0x3f: {  	s23 =	sadd.s32 s24, s23  }
0x40: {  	[tilespmem:s8], [sflag:$0x1] =	stream.linear.gather [hbm4b:s23+s2], $0x4000, $0x38;
	[tilespmem:$0x8400] =	vst v63  }
0x41: {  	_ =	swait.ge [sflag:s9], $0x4000  }
0x42: {  	s26 =	ssub.s32 $0x2, s25;
	[sflag:s9] =	ssyncset.done $0x0  }
0x43: {  	s28 =	sshrl.u32 s26, $0x1;
	s24 =	simm.s32 $0x300;
	[sflag:s9] =	ssyncadd.s32 $0xFFFFC000  }
0x44: {  	[hbm4b:s10+s11] =	stream.indirect.scatter [tilespmem:s6], [sflag:$0x3], $0x80, s24, s11, $0xb8;
	[tilespmem:$0x8400] =	vst v63  }
0x45: {  	s26 =	ssub.s32 s26, s28;
	_ =	swait.ge [sflag:s12], $0x4000  }
0x46: {  	s26 =	smax.u32 s26, $0x1;
	[sflag:s12] =	ssyncset.done $0x0  }
0x47: {  	s25 =	simm.s32 $0x380;
	p0 =	sne.s32 s26, $0x1;
	[sflag:s12] =	ssyncadd.s32 $0xFFFFC000  }
0x48: {  	[hbm4b:s10+s11] =	stream.indirect.scatter [tilespmem:s8], [sflag:$0x3], $0x80, s25, s11, $0xb8;
	[tilespmem:$0x8400] =	vst v63  }
.Ltmp0:
0x49: {  	_ =	swait.ge [sflag:s13], $0x4000;
	(pc) =	sbr.rel @!p0 .LBB2_2-.Ltmp0, $4  }
0x4a: {  	[sflag:s13] =	ssyncset.done $0x0  }
0x4b: {  	[sflag:s13] =	ssyncadd.s32 $0xFFFFC000  }
0x4c: {  	_ =	swait.ge [sflag:s13], $0x4000  }
0x4d: {  	s26 =	sadd.s32 $0xFFFFFFFF, s26;
	[sflag:s13] =	ssyncset.done $0x0  }
.LBB2_1:
0x4e: {  	p0 =	sne.s32 s26, $0x1;
	s26 =	sadd.s32 $0xFFFFFFFF, s26;
	[sflag:s13] =	ssyncadd.s32 $0xFFFFC000  }
0x4f: {  	[tilespmem:s2], [sflag:$0x4] =	stream.linear.gather [hbm4b:s3+s2], $0x400, $0x38;
	[tilespmem:$0x8400] =	vst v63  }
0x50: {  	_ =	swait.ge [sflag:s4], $0x400  }
0x51: {  	[sflag:s4] =	ssyncset.done $0x0  }
0x52: {  	[sflag:s4] =	ssyncadd.s32 $0xFFFFFC00  }
0x53: {  	[tilespmem:s6], [sflag:$0x2] =	stream.linear.gather [hbm4b:s5+s2], $0x4000, $0x38;
	[tilespmem:$0x8400] =	vst v63  }
0x54: {  	_ = 	snop  }
0x55: {  	[tilespmem:s8], [sflag:$0x1] =	stream.linear.gather [hbm4b:s7+s2], $0x4000, $0x38;
	[tilespmem:$0x8400] =	vst v63  }
0x56: {  	_ =	swait.ge [sflag:s9], $0x4000  }
0x57: {  	[sflag:s9] =	ssyncset.done $0x0  }
0x58: {  	[sflag:s9] =	ssyncadd.s32 $0xFFFFC000  }
0x59: {  	[hbm4b:s10+s11] =	stream.indirect.scatter [tilespmem:s6], [sflag:$0x3], $0x80, s2, s11, $0xb8;
	[tilespmem:$0x8400] =	vst v63  }
0x5a: {  	_ =	swait.ge [sflag:s12], $0x4000  }
0x5b: {  	[sflag:s12] =	ssyncset.done $0x0  }
0x5c: {  	[sflag:s12] =	ssyncadd.s32 $0xFFFFC000  }
0x5d: {  	[hbm4b:s10+s11] =	stream.indirect.scatter [tilespmem:s8], [sflag:$0x3], $0x80, s11, s11, $0xb8;
	[tilespmem:$0x8400] =	vst v63  }
0x5e: {  	_ =	swait.ge [sflag:s13], $0x4000  }
0x5f: {  	[sflag:s13] =	ssyncset.done $0x0  }
0x60: {  	[sflag:s13] =	ssyncadd.s32 $0xFFFFC000  }
0x61: {  	_ =	swait.ge [sflag:s13], $0x4000  }
0x62: {  	[sflag:s13] =	ssyncset.done $0x0  }
0x63: {  	[sflag:s13] =	ssyncadd.s32 $0xFFFFC000  }
0x64: {  	[tilespmem:s6], [sflag:$0x2] =	stream.linear.gather [hbm4b:s14+s2], $0x4000, $0x38;
	[tilespmem:$0x8400] =	vst v63  }
0x65: {  	_ = 	snop  }
0x66: {  	[tilespmem:s8], [sflag:$0x1] =	stream.linear.gather [hbm4b:s15+s2], $0x4000, $0x38;
	[tilespmem:$0x8400] =	vst v63  }
0x67: {  	_ =	swait.ge [sflag:s9], $0x4000  }
0x68: {  	[sflag:s9] =	ssyncset.done $0x0  }
0x69: {  	[sflag:s9] =	ssyncadd.s32 $0xFFFFC000  }
0x6a: {  	[hbm4b:s10+s11] =	stream.indirect.scatter [tilespmem:s6], [sflag:$0x3], $0x80, s16, s11, $0xb8;
	[tilespmem:$0x8400] =	vst v63  }
0x6b: {  	_ =	swait.ge [sflag:s12], $0x4000  }
0x6c: {  	[sflag:s12] =	ssyncset.done $0x0  }
0x6d: {  	[sflag:s12] =	ssyncadd.s32 $0xFFFFC000  }
0x6e: {  	[hbm4b:s10+s11] =	stream.indirect.scatter [tilespmem:s8], [sflag:$0x3], $0x80, s17, s11, $0xb8;
	[tilespmem:$0x8400] =	vst v63  }
0x6f: {  	_ =	swait.ge [sflag:s13], $0x4000  }
0x70: {  	[sflag:s13] =	ssyncset.done $0x0  }
0x71: {  	[sflag:s13] =	ssyncadd.s32 $0xFFFFC000  }
0x72: {  	_ =	swait.ge [sflag:s13], $0x4000  }
0x73: {  	[sflag:s13] =	ssyncset.done $0x0  }
0x74: {  	[sflag:s13] =	ssyncadd.s32 $0xFFFFC000  }
0x75: {  	[tilespmem:s6], [sflag:$0x2] =	stream.linear.gather [hbm4b:s18+s2], $0x4000, $0x38;
	[tilespmem:$0x8400] =	vst v63  }
0x76: {  	_ = 	snop  }
0x77: {  	[tilespmem:s8], [sflag:$0x1] =	stream.linear.gather [hbm4b:s19+s2], $0x4000, $0x38;
	[tilespmem:$0x8400] =	vst v63  }
0x78: {  	_ =	swait.ge [sflag:s9], $0x4000  }
0x79: {  	[sflag:s9] =	ssyncset.done $0x0  }
0x7a: {  	[sflag:s9] =	ssyncadd.s32 $0xFFFFC000  }
0x7b: {  	[hbm4b:s10+s11] =	stream.indirect.scatter [tilespmem:s6], [sflag:$0x3], $0x80, s20, s11, $0xb8;
	[tilespmem:$0x8400] =	vst v63  }
0x7c: {  	_ =	swait.ge [sflag:s12], $0x4000  }
0x7d: {  	[sflag:s12] =	ssyncset.done $0x0  }
0x7e: {  	[sflag:s12] =	ssyncadd.s32 $0xFFFFC000  }
0x7f: {  	[hbm4b:s10+s11] =	stream.indirect.scatter [tilespmem:s8], [sflag:$0x3], $0x80, s21, s11, $0xb8;
	[tilespmem:$0x8400] =	vst v63  }
0x80: {  	_ =	swait.ge [sflag:s13], $0x4000  }
0x81: {  	[sflag:s13] =	ssyncset.done $0x0  }
0x82: {  	[sflag:s13] =	ssyncadd.s32 $0xFFFFC000  }
0x83: {  	_ =	swait.ge [sflag:s13], $0x4000  }
0x84: {  	[sflag:s13] =	ssyncset.done $0x0  }
0x85: {  	[sflag:s13] =	ssyncadd.s32 $0xFFFFC000  }
0x86: {  	[tilespmem:s6], [sflag:$0x2] =	stream.linear.gather [hbm4b:s22+s2], $0x4000, $0x38;
	[tilespmem:$0x8400] =	vst v63  }
0x87: {  	_ = 	snop  }
0x88: {  	[tilespmem:s8], [sflag:$0x1] =	stream.linear.gather [hbm4b:s23+s2], $0x4000, $0x38;
	[tilespmem:$0x8400] =	vst v63  }
0x89: {  	_ =	swait.ge [sflag:s9], $0x4000  }
0x8a: {  	[sflag:s9] =	ssyncset.done $0x0  }
0x8b: {  	[sflag:s9] =	ssyncadd.s32 $0xFFFFC000  }
0x8c: {  	[hbm4b:s10+s11] =	stream.indirect.scatter [tilespmem:s6], [sflag:$0x3], $0x80, s24, s11, $0xb8;
	[tilespmem:$0x8400] =	vst v63  }
0x8d: {  	_ =	swait.ge [sflag:s12], $0x4000  }
0x8e: {  	[sflag:s12] =	ssyncset.done $0x0  }
0x8f: {  	[sflag:s12] =	ssyncadd.s32 $0xFFFFC000  }
0x90: {  	[hbm4b:s10+s11] =	stream.indirect.scatter [tilespmem:s8], [sflag:$0x3], $0x80, s25, s11, $0xb8;
	[tilespmem:$0x8400] =	vst v63  }
.Ltmp1:
0x91: {  	_ =	swait.ge [sflag:s13], $0x4000;
	(pc) =	sbr.rel @p0 .LBB2_1-.Ltmp1, $4  }
0x92: {  	[sflag:s13] =	ssyncset.done $0x0  }
0x93: {  	[sflag:s13] =	ssyncadd.s32 $0xFFFFC000  }
0x94: {  	_ =	swait.ge [sflag:s13], $0x4000  }
0x95: {  	[sflag:s13] =	ssyncset.done $0x0  }
.LBB2_2:
0x96: {  	[sflag:s13] =	ssyncadd.s32 $0xFFFFC000  }
0x97: {  	_ =	sfence.sel $0x180000  }
0x98: {  	[bflag:$0x0] =	sbarrier.arrive $0xFFFF  }
0x99: {  	p0 =	sne.s32 s0, $0x0;
	_ =	strace $0x9000004D  }
0x9a: {  	s0 =	sadd.s32 @!p0 $0x100000, s1;
	[bflag:$0x2] =	sbarrier.arrive $0xFFFF  }
0x9b: {  	[sflag:s0] =	ssyncadd.tile.s32 @!p0 $0x1;
	_ =	shalt  }
.Lfunc_end2:
_tile_overlayer_lowered:
.L_overlay_start_2:
0x9c: {  	(tag) =	ssettag $0x2  }
0x9d: {  	s0 =	rddreg [dreg:$0x0];
	s2 =	stileid.u32  }
0x9e: {  	s1 =	rddreg [dreg:$0x1];
	p0 =	sne.s32 s2, $0x0  }
0x9f: {  	s3 =	rddreg [dreg:$0x2];
	[bflag:$0x3] =	sbarrier.arrive $0xFFFF;
	s2 =	simm.s32 @!p0 $0x1C04  }
0xa0: {  	[timem:s3], [sflag:s2] =	dma.local @!p0 [hbm:s0], s1  }
0xa1: {  	s0 =	simm.s32 @!p0 $0x4  }
0xa2: {  	_ =	swait.ge @!p0 [sflag:s0], s1  }
0xa3: {  	s1 =	ssub.s32 @!p0 $0x0, s1;
	[sflag:s0] =	ssyncset.done @!p0 $0x0  }
0xa4: {  	[sflag:s0] =	ssyncadd.s32 @!p0 s1  }
0xa5: {  	[bflag:$0x3] =	sbarrier.arrive $0xFFFF  }
0xa6: {  	_ =	shalt  }

// kernel: scatter_offload_async_start
scs
__scs_entry_jumppad:
0x0: {  	(pc) =	sbr.rel $0x88, $3  }
0x1: {  	(tag) =	ssettag $0x0;
	lr =	simm.s32 $0x1  }
0x2: {  	[smem:$0x3F9B] =	sst lr;
	_ =	strace $0xD0000000  }
0x3: {  	_ = 	snop  }
0x4: {  	_ = 	snop  }
0x5: {  	_ = 	snop  }
0x6: {  	_ = 	snop  }
0x7: {  	_ = 	snop  }
__scs_overlays_trampoline_lowered:
0x8: {  	[smem:$0x3FAA] =	sst s0  }
0x9: {  	[smem:$0x3FAB] =	sst s1  }
0xa: {  	[smem:$0x3FAC] =	sst s2  }
0xb: {  	[smem:$0x3FAD] =	sst s3  }
0xc: {  	[smem:$0x3FAE] =	sst s4  }
0xd: {  	[smem:$0x3FAF] =	sst s5  }
0xe: {  	[smem:$0x3FB0] =	sst s6  }
0xf: {  	[smem:$0x3FB1] =	sst s7  }
0x10: {  	[smem:$0x3FB2] =	sst s8  }
0x11: {  	[smem:$0x3FB3] =	sst s9;
	s0 =	simm.s32 @!p0 $0x0  }
0x12: {  	s1 =	sld [smem:$0x3F99];
	s0 =	simm.s32 @p0 $0x1  }
0x13: {  	[smem:$0x3FB4] =	sst s0;
	s0 =	simm.s32 @!p1 $0x0  }
0x14: {  	s2 =	sld [smem:$0x3F98];
	s0 =	simm.s32 @p1 $0x1  }
0x15: {  	[smem:$0x3FB5] =	sst s0;
	s0 =	simm.s32 @!p2 $0x0  }
0x16: {  	s3 =	sld [smem:$0x3FDB];
	s0 =	simm.s32 @p2 $0x1  }
0x17: {  	s4 =	simm.s32 $0x1BF5;
	[smem:$0x3FB7] =	sst s0  }
0x18: {  	s0 =	sld [smem:$0x3F9A];
	_ =	swait.ge [sflag:s4], $0x0  }
0x19: {  	s7 =	sld [smem:$0x3F9B]  }
0x1a: {  	s8 =	sadd.s32 $0xFFFFE003, lr  }
0x1b: {  	s9 =	sadd.s32 $0xFFFFFEF7, lr;
	s5 =	simm.s32 $0xFFFFFFFF;
	p2 =	slt.u32 s8, $0xFFFFF086  }
0x1c: {  	p1 =	slt.u32 s9, $0xF7A;
	s5 =	simm.s32 @!p2 $0x0  }
0x1d: {  	s5 =	simm.s32 @p1 $0x1;
	p0 =	seq.s32 s7, s2  }
0x1e: {  	s7 =	smul.u32 @!p0 $0xF7A, s2;
	p2 =	seq.s32 @!p0 s5, $0x0  }
0x1f: {  	s9 =	smul.u32 $0xF7A, s1;
	s8 =	simm.s32 @!p0 $0x1BF5;
	p2 =	por !p2, p0  }
0x20: {  	[sflag:s8] =	ssyncset.s32 @!p0 $0xFFFFF086;
	s6 =	sadd.s32 @!p0 s3, s7;
	s7 =	simm.s32 @!p0 $0x108  }
0x21: {  	s3 =	sadd.s32 s3, s9;
	s6 =	sadd.s32 @!p0 $0x88, s6;
	s7 =	simm.s32 @p2 $0x1082  }
0x22: {  	[simem:s7], [sflag:s8] =	dma.local @!p0 [hbm:s6], $0xF7A  }
0x23: {  	s9 =	sor.u32 $0xD0000000, s2;
	s6 =	simm.s32 $0x108;
	_ =	swait.ge @!p0 [sflag:s8], $0x0  }
0x24: {  	s3 =	sadd.s32 $0x88, s3;
	s6 =	simm.s32 @!p1 $0x1082;
	[sflag:s4] =	ssyncset.s32 $0xFFFFF086  }
0x25: {  	[simem:s6], [sflag:s4] =	dma.local [hbm:s3], $0xF7A  }
0x26: {  	[smem:$0x3F9B] =	sst s1;
	(tag) =	ssettag s2;
	_ =	strace s9  }
0x27: {  	s1 =	sld [smem:$0x3FAB]  }
0x28: {  	s2 =	sld [smem:$0x3FAC]  }
0x29: {  	s4 =	sld [smem:$0x3FAE]  }
0x2a: {  	p0 =	seq.s32 s5, $0x0;
	s5 =	sld [smem:$0x3FAF]  }
0x2b: {  	s6 =	sld [smem:$0x3FB0]  }
0x2c: {  	s7 =	sld [smem:$0x3FB1]  }
0x2d: {  	s3 =	simm.s32 $0x108;
	s8 =	sld [smem:$0x3FB2]  }
0x2e: {  	s3 =	simm.s32 @!p0 $0x1082;
	s9 =	sld [smem:$0x3FB3]  }
0x2f: {  	lr =	sadd.s32 s0, s3;
	s0 =	sld [smem:$0x3FAA]  }
0x30: {  	s3 =	sld [smem:$0x3FAD]  }
0x31: {  	[smem:$0x3FB6] =	sst s10  }
0x32: {  	s10 =	sld [smem:$0x3FB4];
	_ =	sdelay $0x3  }
0x33: {  	p0 =	seq.s32 s10, $0x1;
	s10 =	sld [smem:$0x3FB6];
	_ =	sdelay $0x3  }
0x34: {  	[smem:$0x3FB6] =	sst s10  }
0x35: {  	s10 =	sld [smem:$0x3FB5];
	_ =	sdelay $0x3  }
0x36: {  	p1 =	seq.s32 s10, $0x1;
	s10 =	sld [smem:$0x3FB6];
	_ =	sdelay $0x3  }
0x37: {  	[smem:$0x3FB6] =	sst s10  }
0x38: {  	s10 =	sld [smem:$0x3FB7]  }
0x39: {  	_ = 	snop;
	(pc) =	sbr.ind lr, $3  }
0x3a: {  	_ = 	snop  }
0x3b: {  	_ = 	snop  }
0x3c: {  	p2 =	seq.s32 s10, $0x1;
	s10 =	sld [smem:$0x3FB6]  }
0x3d: {  	_ =	shalt  }
0x3e: {  	_ =	shalt  }
0x3f: {  	_ =	shalt  }
0x40: {  	_ =	shalt  }
0x41: {  	_ =	shalt  }
0x42: {  	_ =	shalt  }
0x43: {  	_ =	shalt  }
0x44: {  	_ =	shalt  }
0x45: {  	_ =	shalt  }
0x46: {  	_ =	shalt  }
0x47: {  	_ =	shalt  }
0x48: {  	_ =	shalt  }
0x49: {  	_ =	shalt  }
0x4a: {  	_ =	shalt  }
0x4b: {  	_ =	shalt  }
0x4c: {  	_ =	shalt  }
0x4d: {  	_ =	shalt  }
0x4e: {  	_ =	shalt  }
0x4f: {  	_ =	shalt  }
0x50: {  	_ =	shalt  }
0x51: {  	_ =	shalt  }
0x52: {  	_ =	shalt  }
0x53: {  	_ =	shalt  }
0x54: {  	_ =	shalt  }
0x55: {  	_ =	shalt  }
0x56: {  	_ =	shalt  }
0x57: {  	_ =	shalt  }
0x58: {  	_ =	shalt  }
0x59: {  	_ =	shalt  }
0x5a: {  	_ =	shalt  }
0x5b: {  	_ =	shalt  }
0x5c: {  	_ =	shalt  }
0x5d: {  	_ =	shalt  }
0x5e: {  	_ =	shalt  }
0x5f: {  	_ =	shalt  }
0x60: {  	_ =	shalt  }
0x61: {  	_ =	shalt  }
0x62: {  	_ =	shalt  }
0x63: {  	_ =	shalt  }
0x64: {  	_ =	shalt  }
0x65: {  	_ =	shalt  }
0x66: {  	_ =	shalt  }
0x67: {  	_ =	shalt  }
0x68: {  	_ =	shalt  }
0x69: {  	_ =	shalt  }
0x6a: {  	_ =	shalt  }
0x6b: {  	_ =	shalt  }
0x6c: {  	_ =	shalt  }
0x6d: {  	_ =	shalt  }
0x6e: {  	_ =	shalt  }
0x6f: {  	_ =	shalt  }
0x70: {  	_ =	shalt  }
0x71: {  	_ =	shalt  }
0x72: {  	_ =	shalt  }
0x73: {  	_ =	shalt  }
0x74: {  	_ =	shalt  }
0x75: {  	_ =	shalt  }
0x76: {  	_ =	shalt  }
0x77: {  	_ =	shalt  }
0x78: {  	_ =	shalt  }
0x79: {  	_ =	shalt  }
0x7a: {  	_ =	shalt  }
0x7b: {  	_ =	shalt  }
0x7c: {  	_ =	shalt  }
0x7d: {  	_ =	shalt  }
0x7e: {  	_ =	shalt  }
0x7f: {  	_ =	shalt  }
0x80: {  	_ =	shalt  }
0x81: {  	_ =	shalt  }
0x82: {  	_ =	shalt  }
0x83: {  	_ =	shalt  }
0x84: {  	_ =	shalt  }
0x85: {  	_ =	shalt  }
0x86: {  	_ =	shalt  }
0x87: {  	_ =	shalt  }
.Lfunc_end0:
.L_simem_size_0:
called_computation_lowered:
.L_overlay_start_0:
0x88: {  	s0 =	sld [smem:$0x3FD9]  }
0x89: {  	s1 =	sld [smem:$0x3FFE];
	_ =	sdelay $0x3  }
0x8a: {  	s0 =	sadd.s32 s1, s0  }
0x8b: {  	[smem:$0x3FC2] =	sst s0  }
0x8c: {  	_ = 	snop  }
0x8d: {  	s0 =	sld [smem:$0x3FD0];
	(tm) =	ssettm $0x1  }
0x8e: {  	s16 =	sld [smem:$0x3FFB];
	_ =	sdelay $0x3  }
0x8f: {  	_ =	strace s16  }
0x90: {  	s1 =	sld [smem:$0x3FFC];
	_ =	sdelay $0x3  }
0x91: {  	_ =	strace s1  }
0x92: {  	s1 =	sld [smem:$0x3FFD];
	_ =	sdelay $0x3  }
0x93: {  	_ =	strace s1  }
0x94: {  	_ =	strace $0x8FFFFFFF  }
0x95: {  	s17 =	sld [smem:$0x3FDB];
	_ =	sdelay $0x1  }
0x96: {  	s2 =	simm.s32 $_scs_section_size  }
0x97: {  	s3 =	simm.s32 $_size__tile_overlayer_lowered;
	s4 =	simm.s32 $_tile_overlayer_lowered  }
0x98: {  	s20 =	simm.s32 $0x1BFF;
	s19 =	sshll.u32 s4, $0x1;
	s1 =	sadd.s32 s2, s17  }
0x99: {  	s5 =	simm.s32 $0x0;
	s18 =	sshll.u32 s3, $0x1;
	s3 =	sadd.s32 s19, s1  }
0x9a: {  	[timem:s5], [sflag:s20] =	dma.local [hbm:s3], s18  }
0x9b: {  	_ =	swait.ge [sflag:s20], s18  }
0x9c: {  	s2 =	ssub.s32 $0x0, s18;
	[sflag:s20] =	ssyncset.done $0x0  }
0x9d: {  	[sflag:s20] =	ssyncadd.s32 s2;
	_ =	sdelay $0x1  }
0x9e: {  	s21 =	simm.s32 $0x1B8B  }
0x9f: {  	_ =	swait.ge [sflag:s21], $0x1  }
0xa0: {  	[sflag:s21] =	ssyncset.done $0x0  }
0xa1: {  	s23 =	simm.s32 $0x1B8E;
	s22 =	sld [smem:$0x3FFE];
	[sflag:s21] =	ssyncadd.s32 $0xFFFFFFFF  }
0xa2: {  	s24 =	simm.s32 $execute0_lowered;
	[smem:$0x3FD2] =	sst s23  }
0xa3: {  	s3 =	sshll.u32 s24, $0x1;
	_ =	strace $0x80000046;
	[dreg:$0x1] =	wrdreg $0xFFFFFFFF  }
0xa4: {  	s25 =	simm.s32 $_size_execute0_lowered;
	s1 =	sadd.s32 s1, s3;
	[dreg:$0x0] =	wrdreg $0x0  }
0xa5: {  	s3 =	sshll.u32 s25, $0x1;
	[dreg:$0x2] =	wrdreg s1  }
0xa6: {  	[dreg:$0x3] =	wrdreg s3  }
0xa7: {  	[dreg:$0x4] =	wrdreg $0xC0  }
0xa8: {  	_ =	task [dreg:s5], $0x5FFFF  }
0xa9: {  	[dreg:$0x1] =	wrdreg $0xFFFFFFFF  }
0xaa: {  	[dreg:$0x0] =	wrdreg $0x60  }
0xab: {  	[dreg:$0x2] =	wrdreg s0  }
0xac: {  	[dreg:$0x3] =	wrdreg s22  }
0xad: {  	[dreg:$0x4] =	wrdreg $0x9  }
0xae: {  	_ =	task.clear_ibuf [dreg:s5], $0x5FFFF;
	_ =	strace $0x90000046  }
0xaf: {  	s26 =	simm.s32 $0x9;
	_ =	strace $0x80000048  }
0xb0: {  	_ =	swait.ge [sflag:s26], $0x1  }
0xb1: {  	[sflag:s26] =	ssyncadd.s32 $0xFFFFFFFF  }
0xb2: {  	_ =	strace $0x90000048  }
0xb3: {  	_ =	sfence  }
0xb4: {  	s28 =	sld [smem:$0x0];
	_ =	sdelay $0x1  }
0xb5: {  	s29 =	srdreg.scid  }
0xb6: {  	s30 =	sshll.u32 s29, $0xD;
	s31 =	sshrl.u32 s29, $0x2  }
0xb7: {  	s2 =	sand.u32 $0x4000, s30;
	s1 =	sand.u32 $0x1, s29;
	s0 =	sadd.s32 s31, s28  }
0xb8: {  	s1 =	sor.u32 s2, s1;
	s0 =	sshll.u32 s0, $0x11  }
0xb9: {  	s0 =	sor.u32 s0, s1  }
0xba: {  	s0 =	sadd.s32 $0x8F2B, s0  }
0xbb: {  	[sflag:s0] =	ssyncadd.remote.s32 $0x1  }
0xbc: {  	_ =	sfence.sel $0xFFFF  }
0xbd: {  	[dreg:$0x0] =	wrdreg $0xFFFFFFFF;
	(pc) =	sbr.abs _section_cstart, $3  }
0xbe: {  	[dreg:$0x1] =	wrdreg $0xFFFFFFFF  }
0xbf: {  	_ =	task.clear_ibuf [dreg:s5], $0x2FFFF;
	_ =	strace $0x9FFFFFFF  }
0xc0: {  	(tm) =	ssettm $0x7FFFFFFF  }
0xc1: {  	_ =	shalt  }
tec
execute0_lowered:
.L_overlay_start_1:
0x0: {  	(tag) =	ssettag $0x1  }
0x1: {  	s1 =	rddreg [dreg:$0x0]  }
0x2: {  	s0 =	rddreg [dreg:$0x1];
	_ =	strace $0x80000047;
	s3 =	simm.s32 $0x1  }
0x3: {  	v1 =	vimm.s32 $0xFFFFFFFF;
	[sflag:s3] =	ssyncpa.u1 $0x0  }
0x4: {  	[tilespmem:$0x10] =	vst v1  }
0x5: {  	v0 =	vimm.s32 $0x80000000;
	[tilespmem:$0x20] =	vst v1  }
0x6: {  	[tilespmem:$0x30] =	vst v0  }
0x7: {  	s2 =	simm.s32 $0x2;
	[tilespmem:$0x40] =	vst v0  }
0x8: {  	s6 =	simm.s32 $0x7;
	s26 =	stileid.u32;
	s7 =	simm.s32 $0x8;
	[tilespmem:$0x50] =	vst v0  }
0x9: {  	s31 =	simm.s32 $0x9;
	s14 =	simm.s32 $0x0;
	s15 =	simm.s32 $0x100;
	[tilespmem:$0x60] =	vst v1  }
0xa: {  	s19 =	simm.s32 $0x4900;
	s20 =	simm.s32 $0xF;
	s21 =	simm.s32 $0x50;
	[tilespmem:$0x70] =	vst v1  }
0xb: {  	s22 =	simm.s32 $0x20FF;
	s23 =	simm.s32 $0x20;
	s24 =	simm.s32 $0x30;
	[tilespmem:$0x80] =	vst v1  }
0xc: {  	s25 =	simm.s32 $0x40FF;
	s30 =	simm.s32 $0x0;
	s29 =	simm.s32 $0x0;
	v1 =	vimm.s32 $0x0;
	[tilespmem:$0xB0] =	vst v0  }
.Ltmp0:
0xd: {  	s4 =	sadd.s32 $0x82C00, s0;
	s5 =	sadd.s32 $0x83C00, s0;
	[tilespmem:$0x90] =	vst v1;
	(pc) =	sbr.rel .LBB2_1-.Ltmp0, $4  }
0xe: {  	s8 =	sshll.u32 s26, $0xB;
	s10 =	sshll.u32 s26, $0x1;
	[tilespmem:$0xA0] =	vst v1;
	[sflag:s2] =	ssyncpa.u1 $0x0  }
0xf: {  	s12 =	sshllo.u32 s26, $0x1;
	s26 =	simm.s32 $0x80;
	[sflag:s6] =	ssyncpa.u1 $0x0  }
0x10: {  	vm0 =	vmmov $0xffff;
	v2 =	vlaneseq.u32;
	s9 =	sadd.s32 $0x800, s8;
	s11 =	sor.u32 $0x81, s10;
	[sflag:s7] =	ssyncpa.u1 $0x0  }
0x11: {  	vm1 =	vmxor vm1, vm1;
	vm2 =	vmmov $0x1;
	vm3 =	vcmask $0x3F3C;
	s13 =	sor.u32 $0x80, s10;
	s28 =	smov.u32 s8;
	[sflag:s31] =	ssyncpa.u1 $0x0  }
.LBB2_3:
0x12: {  	s0 =	sshrl.u32 s28, $0x3  }
0x13: {  	s2 =	sand.u32 $0x7, s28;
	s0 =	sadd.s32 s4, s0  }
0x14: {  	[tilespmem:s15], [sflag:$0x7] =	stream.linear.gather [hbm4b:s0+s2], $0x800, $0x38;
	[tilespmem:$0x4920] =	vst v63  }
.LBB2_4:
0x15: {  	s0 =	sadd.s32 $0x800, s28  }
0x16: {  	s2 =	smov.u32 s8;
	s29 =	sadd.s32 $0x1, s29;
	p0 =	slt.s32 s0, s9  }
0x17: {  	s2 =	smov.u32 @p0 s0;
	p0 =	sne.s32 s29, $0x4  }
.Ltmp1:
0x18: {  	_ = 	snop;
	(pc) =	sbr.rel @!p0 .LBB2_13-.Ltmp1, $2  }
0x19: {  	_ =	sdelay $0x2  }
0x1a: {  	s30 =	smov.u32 s28;
	s28 =	smov.u32 s2  }
.LBB2_1:
0x1b: {  	p0 =	sgt.s32 s29, $0x1  }
.Ltmp2:
0x1c: {  	_ = 	snop;
	(pc) =	sbr.rel @p0 .LBB2_11-.Ltmp2, $1  }
0x1d: {  	_ =	sdelay $0x3  }
0x1e: {  	p0 =	seq.s32 s29, $0x0  }
.Ltmp3:
0x1f: {  	_ = 	snop;
	(pc) =	sbr.rel @p0 .LBB2_3-.Ltmp3, $1  }
0x20: {  	_ =	sdelay $0x3  }
0x21: {  	_ =	swait.ge [sflag:s6], $0x800  }
0x22: {  	[sflag:s6] =	ssyncset.done $0x0  }
0x23: {  	[sflag:s6] =	ssyncadd.s32 $0xFFFFF800;
	(ifvalue) =	ssetifvalue $0xFFFFFFFF;
	v3 =	vld.msk [tilespmem:s15+$0x0 ss:$0x1], $0xffff;
	_ =	sdelay $0x4  }
0x24: {  	v4 =	vperm.xlane v3, v1  }
0x25: {  	vm4 =	vlt.u32 v3, $0x20000  }
0x26: {  	v3 =	vnsel vm4, $0xFFFFFFFE, v3;
	vm4 =	vlt.u32 v4, $0x20000  }
0x27: {  	[tilespmem:$0x70] =	vst v3;
	v3 =	vnsel vm4, $0xFFFFFFFE, v4  }
0x28: {  	s17 =	simm.s32 $0x8F0;
	[tilespmem:$0x80] =	vst v3  }
0x29: {  	v3 =	vld.msk [tilespmem:s17+$0x0 ss:$0x1], $0xffff;
	_ =	sdelay $0x4  }
0x2a: {  	(xrf1) =	vunique.msk.u32 $0xffff, v3;
	_ =	sdelay $0xd  }
0x2b: {  	v4 =	vimm.s32 $0xFFFFFFFF;
	v5, _, _ =	vpop (xrf1)  }
0x2c: {  	vm5 =	vne.s32 v3, v4;
	vm4 =	veq.s32 v5, v2  }
0x2d: {  	vm6 =	vlt.u32 v3, $0x20000;
	vm4 =	vmand vm5, vm4  }
0x2e: {  	vm4 =	vmand vm6, vm4  }
0x2f: {  	v4 =	vnsel vm4, $0xFFFFFFFF, v3;
	_ =	sdelay $0x3  }
0x30: {  	s0 =	simm.s32 $0x20F0;
	(ifvalue) =	ssetifvalue $0xFFFFFFFF  }
0x31: {  	v3 =	vperm.xlane v3, v1;
	[tilespmem:s0], [sflag:$0x8] =	stream.indirect_vreg.gather [hbm4b:s1+s14], $0x1, v4, vm0, $0x4038;
	v4 =	vnsel vm6, $0xFFFFFFFE, v4;
	[tilespmem:$0x4920] =	vst v63  }
0x32: {  	s2 =	simm.s32 $0x0;
	s16 =	simm.s32 $0x8E0;
	[tilespmem:s17+$0x0] =	vst v4  }
.LBB2_6:
0x33: {  	v4 =	vld.msk [tilespmem:s16+$0x0 ss:$0x1], $0xffff;
	s2 =	sadd.s32 $0x10, s2;
	v5 =	vmov v3;
	s17 =	smov.u32 s16  }
0x34: {  	p0 =	slt.u32 s2, $0x7F0;
	_ =	sdelay $0x4  }
0x35: {  	v3 =	vperm.xlane v4, v1;
	(xrf1) =	vunique.msk.u32 $0xffff, v4;
	_ =	sdelay $0xd  }
0x36: {  	v6, _, _ =	vpop (xrf1)  }
0x37: {  	vm5 =	vne.s32 v4, v5;
	vm4 =	veq.s32 v6, v2  }
0x38: {  	vm6 =	vlt.u32 v4, $0x20000;
	vm4 =	vmand vm5, vm4  }
0x39: {  	vm4 =	vmand vm6, vm4  }
0x3a: {  	v4 =	vnsel vm4, $0xFFFFFFFF, v4  }
.Ltmp4:
0x3b: {  	v5 =	vnsel vm6, $0xFFFFFFFE, v4;
	(pc) =	sbr.rel @p0 .LBB2_6-.Ltmp4, $3  }
0x3c: {  	_ =	sdelay $0x1  }
0x3d: {  	s16 =	sadd.s32 $0xFFFFFFF0, s16;
	s0 =	sadd.s32 $0xFFFFFFF0, s0;
	(ifvalue) =	ssetifvalue $0xFFFFFFFF  }
0x3e: {  	[tilespmem:s0], [sflag:$0x8] =	stream.indirect_vreg.gather [hbm4b:s1+s14], $0x1, v4, vm0, $0x4038;
	[tilespmem:s17+$0x0] =	vst v5  }
.Ltmp5:
0x3f: {  	(pc) =	sbr.rel .LBB2_4-.Ltmp5, $4  }
0x40: {  	_ = 	snop  }
0x41: {  	s0 =	sshrl.u32 s30, $0x3  }
0x42: {  	s2 =	simm.s32 $0x2900;
	s0 =	sadd.s32 s5, s0  }
0x43: {  	[tilespmem:s2], [sflag:$0x8] =	stream.linear.gather [hbm:s0], $0x800, $0x38;
	[tilespmem:$0x4920] =	vst v63  }
.LBB2_11:
0x44: {  	p0 =	seq.s32 s29, $0x2  }
.Ltmp6:
0x45: {  	_ = 	snop;
	(pc) =	sbr.rel @!p0 .LBB2_12-.Ltmp6, $1  }
0x46: {  	_ =	sdelay $0x3  }
0x47: {  	_ =	swait.ge [sflag:s7], $0x1000  }
0x48: {  	[sflag:s7] =	ssyncset.done $0x0  }
0x49: {  	s0 =	simm.s32 $0x8FF;
	[sflag:s7] =	ssyncadd.s32 $0xFFFFF000  }
0x4a: {  	[spmem:s11] =	stream.linear.scatter [tilespmem:s0], [sflag:$0x1], $0x1, $0x38;
	[tilespmem:$0x4920] =	vst v63  }
0x4b: {  	_ =	swait.ge [sflag:s3], $0x1  }
0x4c: {  	[sflag:s3] =	ssyncset.done $0x0  }
0x4d: {  	[sflag:s3] =	ssyncadd.s32 $0xFFFFFFFF  }
0x4e: {  	v4 =	vld [tilespmem:$0x10]  }
0x4f: {  	v5 =	vld [tilespmem:$0x70]  }
0x50: {  	v3 =	vld [tilespmem:$0x80];
	_ =	sdelay $0x2  }
0x51: {  	(v2sf) =	vpush v4, $0x0  }
0x52: {  	(v2sf) =	vpush v5, $0x0  }
0x53: {  	(v2sf) =	vpush v3, $0x0;
	_ =	sdelay $0xc  }
0x54: {  	s18 =	spop (v2sf)  }
0x55: {  	s2 =	spop (v2sf)  }
0x56: {  	s30 =	spop (v2sf)  }
0x57: {  	p0 =	seq.s32 s18, s2;
	p1 =	seq.s32 s30, s18  }
0x58: {  	p1 =	por p0, p1  }
0x59: {  	s2 =	simm.s32 $0x10;
	v4 =	vpsel p1, $0xFFFFFFFF, v4  }
0x5a: {  	[tilespmem:s2+$0x0] =	vst.msk $0x1, v4  }
0x5b: {  	v4 =	vld [tilespmem:$0x30]  }
0x5c: {  	v5 =	vld [tilespmem:$0x2900]  }
0x5d: {  	v6 =	vld [tilespmem:$0x40];
	_ =	sdelay $0x3  }
0x5e: {  	vm4 =	vmmov vm1;
	vm6 =	vmmov vm2;
	vm5 =	vgt.s32 v4, v5  }
0x5f: {  	s16 =	simm.s32 $0x2900;
	vm4 =	vmmov @p0 vm2;
	v5 =	vsel vm5, v4, v5;
	vm5 =	vgt.s32 v4, v6  }
0x60: {  	vm6 =	vmmov @p1 vm1;
	v4 =	vsel vm5, v4, v6;
	[tilespmem:s16+$0x0] =	vst.msk vm4, v5  }
0x61: {  	[tilespmem:s19+$0x0] =	vst.msk vm6, v4  }
0x62: {  	v4 =	vld [tilespmem:$0x20F0];
	_ =	sdelay $0x4  }
0x63: {  	v4 =	vshift.insert v4, v1, s20;
	_ =	sdelay $0x1  }
0x64: {  	v5 =	vimm.s32 $0x80000000;
	[tilespmem:s21+$0x0] =	vst.msk $0x1, v4  }
0x65: {  	[tilespmem:s22+$0x0] =	vst.msk $0x1, v5  }
0x66: {  	v4 =	vld [tilespmem:$0x8F0];
	_ =	sdelay $0x4  }
0x67: {  	v4 =	vshift.insert v4, v1, s20;
	_ =	sdelay $0x1  }
0x68: {  	[tilespmem:s23+$0x0] =	vst.msk $0x1, v4  }
0x69: {  	v6 =	vld [tilespmem:s16+$0x0]  }
0x6a: {  	s17 =	simm.s32 $0x100  }
0x6b: {  	v7 =	vld [tilespmem:s17+$0x0];
	_ =	sdelay $0x2  }
0x6c: {  	vm4 =	vgt.s32 v6, v5  }
0x6d: {  	v5 =	vsel vm4, v6, v5  }
0x6e: {  	vm4 =	vne.s32 v7, $0xFFFFFFFF;
	v5 =	vxor.u32 $0x80000000, v5  }
0x6f: {  	(xrf0) =	vmax.seg.scan.u32 vm4, v5  }
0x70: {  	s18 =	simm.s32 $0x1900  }
0x71: {  	v8 =	vld [tilespmem:s18+$0x0]  }
0x72: {  	v6 =	vld [tilespmem:$0xA0];
	_ =	sdelay $0x2  }
0x73: {  	v5 =	vperm.xlane v4, v1;
	v9, _, _ =	vpop (xrf0)  }
0x74: {  	vm6 =	veq.s32 v7, v3;
	v9 =	vxor.u32 $0x80000000, v9  }
0x75: {  	vm8 =	veq.s32 v7, v5;
	vm5 =	veq.s32 v6, $0x1;
	vm7 =	vgt.s32 v9, v8  }
0x76: {  	vm8 =	vmor vm8, vm6;
	v6 =	vsel vm7, v9, v8;
	vm7 =	vgt.u32 v7, $0xFFFFFFFD  }
0x77: {  	v10 =	vld [tilespmem:$0x90];
	vm9 =	vmand vm4, vm3;
	vm4 =	vmor vm5, vm6;
	vm5 =	vmor vm8, vm7  }
0x78: {  	v8 =	vsel vm5, $0xFFFFFFFF, v7;
	_ =	sdelay $0x1  }
0x79: {  	s31 =	simm.s32 $0x3900  }
0x7a: {  	s0 =	simm.s32 $0x0;
	s2 =	simm.s32 $0x2910;
	s16 =	simm.s32 $0x110;
	v11 =	vsel vm9, $0x80000000, v9;
	v6 =	vsel vm6, v9, v6  }
0x7b: {  	s17 =	simm.s32 $0x3910;
	s18 =	simm.s32 $0x1910;
	[tilespmem:s31+$0x0] =	vst v6;
	v6 =	vsel vm6, v9, v10;
	v7 =	vshift.insert v11, v0, s20;
	(ifvalue) =	ssetifvalue $0xFFFFFFFF  }
.LBB2_9:
0x7c: {  	[hbm4b:s1+s14] =	stream.indirect_vreg.scatter [tilespmem:s31], [sflag:$0x2], $0x1, v8, vm0, $0x4038;
	[tilespmem:$0x4920] =	vst v63  }
0x7d: {  	s0 =	sadd.s32 $0x10, s0;
	s31 =	smov.u32 s17;
	v8 =	vld [tilespmem:s2+$0x0]  }
0x7e: {  	p0 =	slt.u32 s0, $0x7F0  }
0x7f: {  	v9 =	vld [tilespmem:s16+$0x0];
	_ =	sdelay $0x2  }
0x80: {  	vm5 =	vgt.s32 v8, v7  }
0x81: {  	v7 =	vsel vm5, v8, v7  }
0x82: {  	vm5 =	vne.s32 v9, $0xFFFFFFFF;
	v7 =	vxor.u32 $0x80000000, v7  }
0x83: {  	(xrf0) =	vmax.seg.scan.u32 vm5, v7;
	_ =	sdelay $0x2  }
0x84: {  	v7 =	vld [tilespmem:s18+$0x0];
	_ =	sdelay $0x1  }
0x85: {  	vm6 =	veq.s32 v9, v3;
	vm7 =	veq.s32 v9, v5  }
0x86: {  	vm8 =	vgt.u32 v9, $0xFFFFFFFD;
	vm4 =	vmor vm4, vm6;
	vm7 =	vmor vm7, vm6;
	v8, _, _ =	vpop (xrf0)  }
0x87: {  	vm5 =	vmand vm5, vm3;
	vm7 =	vmor vm7, vm8;
	v10 =	vxor.u32 $0x80000000, v8  }
.Ltmp7:
0x88: {  	v8 =	vsel vm7, $0xFFFFFFFF, v9;
	vm7 =	vgt.s32 v10, v7;
	v9 =	vsel vm5, $0x80000000, v10;
	(pc) =	sbr.rel @p0 .LBB2_9-.Ltmp7, $4  }
0x89: {  	v6 =	vsel vm6, v10, v6;
	v11 =	vsel vm7, v10, v7;
	v7 =	vshift.insert v9, v0, s20  }
0x8a: {  	v9 =	vsel vm6, v10, v11  }
0x8b: {  	s2 =	sadd.s32 $0x10, s2;
	s16 =	sadd.s32 $0x10, s16;
	[tilespmem:s17+$0x0] =	vst v9  }
0x8c: {  	s18 =	sadd.s32 $0x10, s18;
	s17 =	sadd.s32 $0x10, s17;
	(ifvalue) =	ssetifvalue $0xFFFFFFFF  }
0x8d: {  	_ =	sdelay $0x3  }
0x8e: {  	[hbm4b:s1+s14] =	stream.indirect_vreg.scatter [tilespmem:s31], [sflag:$0x2], $0x1, v8, vm0, $0x4038;
	[tilespmem:$0x4920] =	vst v63  }
0x8f: {  	v3 =	vld [tilespmem:$0x40F0];
	_ =	sdelay $0x4  }
0x90: {  	v3 =	vshift.insert v3, v1, s20;
	_ =	sdelay $0x1  }
0x91: {  	[tilespmem:s24+$0x0] =	vst.msk $0x1, v3  }
0x92: {  	v3 =	vsel vm4, $0x1, v1;
	[tilespmem:$0x90] =	vst v6  }
0x93: {  	[tilespmem:$0xA0] =	vst v3  }
0x94: {  	[spmem:s12] =	stream.linear.scatter [tilespmem:s25], [sflag:$0x1], $0x1, $0x38;
	[tilespmem:$0x4920] =	vst v63  }
0x95: {  	v3 =	vmctz.xlane vm4;
	_ =	swait.ge [sflag:s3], $0x1  }
0x96: {  	(v2sf) =	vpush v4, $0x0  }
0x97: {  	(v2sf) =	vpush v3, $0x0;
	_ =	sdelay $0xd  }
0x98: {  	s0 =	spop (v2sf)  }
0x99: {  	s2 =	spop (v2sf)  }
0x9a: {  	[sflag:s3] =	ssyncset.done $0x0;
	p0 =	sne.s32 s30, s0;
	p1 =	slt.s32 s2, $0xF  }
0x9b: {  	[sflag:s3] =	ssyncadd.s32 $0xFFFFFFFF;
	v3 =	vimm.s32 @!p0 $0xFFFFFFFF;
	s2 =	simm.s32 @!p1 $0xF  }
0x9c: {  	[tilespmem:$0x80] =	vst @!p0 v3;
	s31 =	sadd.s32 $0x90, s2  }
0x9d: {  	[spmem:s10] =	stream.linear.scatter [tilespmem:s31], [sflag:$0x1], $0x1, $0x38;
	[tilespmem:$0x4920] =	vst v63  }
0x9e: {  	_ =	swait.ge [sflag:s3], $0x1  }
0x9f: {  	[sflag:s3] =	ssyncset.done $0x0  }
0xa0: {  	[sflag:s3] =	ssyncadd.s32 $0xFFFFFFFF  }
0xa1: {  	[spmem:s13] =	stream.linear.scatter [tilespmem:s26], [sflag:$0x1], $0x1, $0x38;
	[tilespmem:$0x4920] =	vst v63  }
0xa2: {  	_ =	swait.ge [sflag:s3], $0x1  }
0xa3: {  	[sflag:s3] =	ssyncset.done $0x0  }
0xa4: {  	[sflag:s3] =	ssyncadd.s32 $0xFFFFFFFF;
	(ifvalue) =	ssetifvalue $0xFFFFFFFF;
	v3 =	vld [tilespmem:$0x10];
	_ =	sdelay $0x3  }
.Ltmp8:
0xa5: {  	_ = 	snop;
	(pc) =	sbr.rel .LBB2_4-.Ltmp8, $3  }
0xa6: {  	_ =	sdelay $0x1  }
0xa7: {  	(ifvalue) =	ssetifvalue $0xFFFFFFFF  }
0xa8: {  	[hbm4b:s1+s14] =	stream.indirect_vreg.scatter [tilespmem:s19], [sflag:$0x9], $0x1, v3, vm0, $0x4038;
	[tilespmem:$0x4920] =	vst v63  }
.LBB2_12:
0xa9: {  	s0 =	simm.s32 $0x2  }
0xaa: {  	_ =	swait.ge [sflag:s0], $0x800  }
0xab: {  	[sflag:s0] =	ssyncset.done $0x0  }
0xac: {  	s31 =	simm.s32 $0x9;
	[sflag:s0] =	ssyncadd.s32 $0xFFFFF800  }
0xad: {  	_ =	swait.ge [sflag:s31], $0x10  }
0xae: {  	[sflag:s31] =	ssyncset.done $0x0  }
0xaf: {  	[sflag:s31] =	ssyncadd.s32 $0xFFFFFFF0  }
.LBB2_13:
0xb0: {  	_ =	sfence.sel $0x180000  }
0xb1: {  	s0 =	simm.s32 $0x7;
	[bflag:$0x0] =	sbarrier.arrive $0xFFFF  }
0xb2: {  	s26 =	simm.s32 $0x8;
	[sflag:s0] =	ssyncpa.u1 $0x1  }
0xb3: {  	s28 =	simm.s32 $0x9;
	[sflag:s26] =	ssyncpa.u1 $0x1  }
0xb4: {  	[sflag:s28] =	ssyncpa.u1 $0x1  }
0xb5: {  	_ =	sfence.stream.spmem  }
0xb6: {  	s29 =	simm.s32 $0x3;
	[bflag:$0x0] =	sbarrier.arrive $0xFFFF  }
0xb7: {  	s30 =	simm.s32 $0x4;
	[sflag:s29] =	ssyncpa.u1 $0x1  }
0xb8: {  	s31 =	simm.s32 $0x3C;
	s2 =	stileid.u32;
	[sflag:s30] =	ssyncpa.u1 $0x1  }
0xb9: {  	p0 =	sne.s32 s2, $0x0;
	[sflag:s31] =	ssyncpa.u1 $0x1  }
0xba: {  	s0 =	simm.s32 @p0 $0x1;
	_ =	sfence @p0  }
0xbb: {  	[sflag:s0] =	ssyncpa.u1 @p0 $0x1;
	s0 =	simm.s32 @p0 $0x2  }
0xbc: {  	[sflag:s0] =	ssyncpa.u1 @p0 $0x1  }
0xbd: {  	_ =	strace @p0 $0x90000047  }
0xbe: {  	[bflag:$0x2] =	sbarrier.arrive @p0 $0xFFFF  }
0xbf: {  	_ =	shalt @p0  }
.LBB2_14:
0xc0: {  	_ =	sfence.stream.spmem;
	s0 =	simm.s32 $0x5  }
0xc1: {  	s2 =	simm.s32 $0x80;
	s3 =	simm.s32 $0xC0;
	[sflag:s0] =	ssyncpa.u1 $0x0  }
0xc2: {  	[tilespmem:s3], [sflag:$0x5] =	stream.linear.gather [spmem:s2], $0x20, $0x38;
	[tilespmem:$0x4920] =	vst v63  }
0xc3: {  	s30 =	simm.s32 $0xE0;
	s2 =	simm.s32 $0x0  }
0xc4: {  	[tilespmem:s30], [sflag:$0x5] =	stream.linear.gather [spmem:s2], $0x20, $0x38;
	[tilespmem:$0x4920] =	vst v63  }
.Ltmp9:
0xc5: {  	_ = 	snop;
	(pc) =	sbr.rel .LBB2_15-.Ltmp9, $4  }
0xc6: {  	_ =	swait.ge [sflag:s0], $0x40  }
0xc7: {  	[sflag:s0] =	ssyncset.done $0x0  }
0xc8: {  	s31 =	simm.s32 $0x6;
	[sflag:s0] =	ssyncadd.s32 $0xFFFFFFC0  }
0xc9: {  	s3 =	simm.s32 $0x0;
	[sflag:s31] =	ssyncpa.u1 $0x0  }
.LBB2_20:
0xca: {  	p0 =	sgt.u32 s4, $0x1FFFF  }
0xcb: {  	s0 =	sshrl.u32 @!p0 s4, $0x3  }
0xcc: {  	s4 =	sand.u32 @!p0 $0x7, s4;
	s5 =	simm.s32 @!p0 $0xB0;
	s0 =	sadd.s32 @!p0 s1, s0  }
0xcd: {  	[tilespmem:s5], [sflag:$0x6] =	stream.linear.gather @!p0 [hbm4b:s0+s4], $0x1, $0x38;
	[tilespmem:$0x4920] =	vst v63  }
0xce: {  	s0 =	simm.s32 @!p0 $0x6  }
0xcf: {  	_ =	swait.ge @!p0 [sflag:s0], $0x1  }
0xd0: {  	[sflag:s0] =	ssyncset.done @!p0 $0x0  }
0xd1: {  	[sflag:s0] =	ssyncadd.s32 @!p0 $0xFFFFFFFF  }
0xd2: {  	v1 =	vld.msk @!p0 [tilespmem:$0xB0], $0x1  }
0xd3: {  	v2 =	vld.msk @!p0 [tilespmem:s3+$0xE0], $0x1;
	_ =	sdelay $0x4  }
0xd4: {  	vm0 =	vgt.s32 @!p0 v2, v1  }
0xd5: {  	v1 =	vsel @!p0 vm0, v2, v1  }
0xd6: {  	[tilespmem:s3+$0xE0] =	vst.msk @!p0 $0x1, v1  }
0xd7: {  	[tilespmem:s2+$0xC0] =	vst.msk $0x1, v0  }
0xd8: {  	v0 =	vld.msk [tilespmem:s3+$0xE0], $0x1;
	_ =	sdelay $0x4  }
0xd9: {  	[tilespmem:s2+$0xE0] =	vst.msk $0x1, v0;
	s2 =	sadd.s32 $0x1, s2  }
.LBB2_22:
0xda: {  	s3 =	sadd.s32 $0x1, s3  }
0xdb: {  	p0 =	sne.s32 s3, $0x20  }
.Ltmp10:
0xdc: {  	_ = 	snop;
	(pc) =	sbr.rel @!p0 .LBB2_23-.Ltmp10, $1  }
0xdd: {  	_ =	sdelay $0x3  }
.LBB2_15:
0xde: {  	v0 =	vld.msk [tilespmem:s3+$0xC0], $0x1;
	_ =	sdelay $0x4  }
0xdf: {  	(v2sf) =	vpush v0, $0x0;
	_ =	sdelay $0xe  }
0xe0: {  	s4 =	spop (v2sf)  }
0xe1: {  	p0 =	seq.s32 s4, $0xFFFFFFFF  }
.Ltmp11:
0xe2: {  	_ = 	snop;
	(pc) =	sbr.rel @p0 .LBB2_22-.Ltmp11, $1  }
0xe3: {  	_ =	sdelay $0x3  }
0xe4: {  	p0 =	slt.s32 s2, $0x1  }
.Ltmp12:
0xe5: {  	_ = 	snop;
	(pc) =	sbr.rel @p0 .LBB2_20-.Ltmp12, $1  }
0xe6: {  	_ =	sdelay $0x3  }
0xe7: {  	s0 =	simm.s32 $0xC0;
	p0 =	por $0x0, $0x0  }
0xe8: {  	v1 =	vld.msk @!p0 [tilespmem:s0+$0x0], $0x1;
	_ =	sdelay $0x4  }
0xe9: {  	(v2sf) =	vpush @!p0 v1, $0x0;
	_ =	sdelay $0xd  }
0xea: {  	p2 =	sne.s32 s2, $0x1  }
.Ltmp13:
0xeb: {  	s5 =	spop @!p0 (v2sf);
	(pc) =	sbr.rel @!p2 .LBB2_19-.Ltmp13, $4  }
0xec: {  	p1 =	seq.s32 @!p0 s4, s5  }
0xed: {  	s5 =	simm.s32 $0x0;
	p1 =	por !p1, p0  }
0xee: {  	s7 =	simm.s32 $0xFFFFFFFF;
	s5 =	simm.s32 @p1 $0xFFFFFFFF  }
0xef: {  	s6 =	simm.s32 $0x1;
	s5 =	smov.u32 @p0 s7  }
.LBB2_18:
0xf0: {  	s7 =	smov.u32 s5;
	p0 =	sne.s32 s5, $0xFFFFFFFF  }
0xf1: {  	s0 =	sadd.s32 $0x1, s0;
	s5 =	smov.u32 s6;
	s6 =	sadd.s32 $0x1, s6  }
0xf2: {  	p1 =	sne.s32 s2, s6;
	v1 =	vld.msk @!p0 [tilespmem:s0+$0x0], $0x1;
	_ =	sdelay $0x4  }
0xf3: {  	(v2sf) =	vpush @!p0 v1, $0x0;
	_ =	sdelay $0xe  }
.Ltmp14:
0xf4: {  	s8 =	spop @!p0 (v2sf);
	(pc) =	sbr.rel @p1 .LBB2_18-.Ltmp14, $4  }
0xf5: {  	p2 =	seq.s32 @!p0 s4, s8  }
0xf6: {  	p2 =	por !p2, p0  }
0xf7: {  	s5 =	simm.s32 @p2 $0xFFFFFFFF  }
0xf8: {  	s5 =	smov.u32 @p0 s7  }
.LBB2_19:
0xf9: {  	p0 =	sne.s32 s5, $0xFFFFFFFF  }
.Ltmp15:
0xfa: {  	_ = 	snop;
	(pc) =	sbr.rel @!p0 .LBB2_20-.Ltmp15, $1  }
0xfb: {  	_ =	sdelay $0x3  }
0xfc: {  	v0 =	vld.msk [tilespmem:s3+$0xE0], $0x1  }
0xfd: {  	v1 =	vld.msk [tilespmem:s5+$0xE0], $0x1;
	_ =	sdelay $0x2  }
.Ltmp16:
0xfe: {  	_ = 	snop;
	(pc) =	sbr.rel .LBB2_22-.Ltmp16, $4  }
0xff: {  	_ = 	snop  }
0x100: {  	vm0 =	vgt.s32 v1, v0  }
0x101: {  	v0 =	vsel vm0, v1, v0  }
0x102: {  	[tilespmem:s5+$0xE0] =	vst.msk $0x1, v0  }
.LBB2_23:
0x103: {  	p0 =	slt.s32 s2, $0x1  }
.Ltmp17:
0x104: {  	_ = 	snop;
	(pc) =	sbr.rel @p0 .LBB2_27-.Ltmp17, $3  }
0x105: {  	_ =	sdelay $0x1  }
0x106: {  	s0 =	simm.s32 $0x6  }
0x107: {  	[sflag:s0] =	ssyncpa.u1 $0x1;
	s0 =	simm.s32 $0x0  }
0x108: {  	s3 =	simm.s32 $0xC0  }
0x109: {  	v0 =	vld.msk [tilespmem:s3+$0x0], $0x1;
	_ =	sdelay $0x4  }
0x10a: {  	(v2sf) =	vpush v0, $0x0;
	_ =	sdelay $0xe  }
0x10b: {  	s2 =	sadd.s32 $0xFFFFFFFF, s2;
	s4 =	spop (v2sf)  }
0x10c: {  	p1 =	sne.s32 s2, $0x0;
	p0 =	sgt.u32 s4, $0x1FFFF  }
.Ltmp18:
0x10d: {  	s5 =	sshrl.u32 @!p0 s4, $0x3;
	(pc) =	sbr.rel @!p1 .LBB2_26-.Ltmp18, $4  }
0x10e: {  	s3 =	simm.s32 $0xE0;
	s4 =	sand.u32 @!p0 $0x7, s4;
	s5 =	sadd.s32 @!p0 s1, s5  }
0x10f: {  	[hbm4b:s5+s4] =	stream.linear.scatter @!p0 [tilespmem:s3], [sflag:$0x5], $0x1, $0x38;
	[tilespmem:$0x4920] =	vst v63  }
0x110: {  	s5 =	simm.s32 $0x0  }
0x111: {  	s4 =	simm.s32 $0xC1;
	s5 =	simm.s32 @!p0 $0x4  }
.LBB2_25:
0x112: {  	v0 =	vld.msk [tilespmem:s4+$0x0], $0x1;
	s2 =	sadd.s32 $0xFFFFFFFF, s2;
	s0 =	sadd.s32 s0, s5  }
0x113: {  	p0 =	sne.s32 s2, $0x0;
	_ =	sdelay $0x3  }
0x114: {  	(v2sf) =	vpush v0, $0x0;
	_ =	sdelay $0xe  }
.Ltmp19:
0x115: {  	s6 =	spop (v2sf);
	(pc) =	sbr.rel @p0 .LBB2_25-.Ltmp19, $4  }
0x116: {  	s5 =	simm.s32 $0x0;
	p1 =	sgt.u32 s6, $0x1FFFF  }
0x117: {  	s3 =	sadd.s32 $0x1, s3;
	s5 =	simm.s32 @!p1 $0x4;
	s7 =	sshrl.u32 @!p1 s6, $0x3  }
0x118: {  	s4 =	sadd.s32 $0x1, s4;
	s6 =	sand.u32 @!p1 $0x7, s6;
	s7 =	sadd.s32 @!p1 s1, s7  }
0x119: {  	[hbm4b:s7+s6] =	stream.linear.scatter @!p1 [tilespmem:s3], [sflag:$0x5], $0x1, $0x38;
	[tilespmem:$0x4920] =	vst v63  }
.LBB2_26:
0x11a: {  	s0 =	sadd.s32 s0, s5  }
0x11b: {  	s0 =	sshrl.u32 s0, $0x2  }
.LBB2_27:
0x11c: {  	s1 =	simm.s32 $0x5  }
0x11d: {  	_ =	swait.ge [sflag:s1], s0  }
0x11e: {  	s28 =	ssub.s32 $0x0, s0;
	[sflag:s1] =	ssyncset.done $0x0  }
0x11f: {  	[sflag:s1] =	ssyncadd.s32 s28  }
0x120: {  	[sflag:s1] =	ssyncpa.u1 $0x1  }
0x121: {  	s29 =	simm.s32 $0x1;
	_ =	sfence  }
0x122: {  	s30 =	simm.s32 $0x2;
	[sflag:s29] =	ssyncpa.u1 $0x1  }
0x123: {  	[sflag:s30] =	ssyncpa.u1 $0x1  }
0x124: {  	_ =	strace $0x90000047  }
0x125: {  	[bflag:$0x2] =	sbarrier.arrive $0xFFFF  }
0x126: {  	s31 =	rddreg [dreg:$0x2]  }
0x127: {  	s0 =	sadd.s32 $0x100000, s31  }
0x128: {  	[sflag:s0] =	ssyncadd.tile.s32 $0x1;
	_ =	shalt  }
.Lfunc_end2:
_tile_overlayer_lowered:
.L_overlay_start_2:
0x129: {  	(tag) =	ssettag $0x2  }
0x12a: {  	s0 =	rddreg [dreg:$0x0];
	s2 =	stileid.u32  }
0x12b: {  	s1 =	rddreg [dreg:$0x1];
	p0 =	sne.s32 s2, $0x0  }
0x12c: {  	s3 =	rddreg [dreg:$0x2];
	[bflag:$0x3] =	sbarrier.arrive $0xFFFF;
	s2 =	simm.s32 @!p0 $0x1C01  }
0x12d: {  	[timem:s3], [sflag:s2] =	dma.local @!p0 [hbm:s0], s1  }
0x12e: {  	s0 =	simm.s32 @!p0 $0x1  }
0x12f: {  	_ =	swait.ge @!p0 [sflag:s0], s1  }
0x130: {  	s1 =	ssub.s32 @!p0 $0x0, s1;
	[sflag:s0] =	ssyncset.done @!p0 $0x0  }
0x131: {  	[sflag:s0] =	ssyncadd.s32 @!p0 s1  }
0x132: {  	[bflag:$0x3] =	sbarrier.arrive $0xFFFF  }
0x133: {  	_ =	shalt  }

</sc_bundles>
